<compile_context>
chip_gen: v7x
topology: tpu7x:2x2x1
jax: 0.10.2.dev20260603
libtpu: 0.0.44.dev20260713+nightly
codegen_flags: <defaults>
</compile_context>

<pallas_src>
import functools

import jax
import jax.numpy as jnp
from jax import lax
from jax.experimental import pallas as pl
from jax.experimental.pallas import tpu as pltpu
from jax.experimental.pallas import tpu_sc as plsc

D_MODEL = 256
ANGLE_K = 50
TEMPERATURE = 10000.0
SCALE = 1.0
NUM_POS_FEATS = (D_MODEL // 3) // 2 * 2
PADDING = D_MODEL - NUM_POS_FEATS * 3

N = 16384
M = 2048
K = ANGLE_K

NBA = 512
NBB = 1024
MBE = 512
NEG = -3.0e38


def _a_body(pts_ref, nodes_ref, p2n_ref, d2_ref, cnt_ref):
    px = pts_ref[0:1, :]
    py = pts_ref[1:2, :]
    pz = pts_ref[2:3, :]
    nx = nodes_ref[:, 0:1]
    ny = nodes_ref[:, 1:2]
    nz = nodes_ref[:, 2:3]
    dx = nx - px
    dy = ny - py
    dz = nz - pz
    sq = dx * dx + dy * dy + dz * dz
    mn = jnp.min(sq, axis=0, keepdims=True)
    nid = lax.broadcasted_iota(jnp.int32, (M, NBA), 0)
    amn = jnp.min(jnp.where(sq == mn, nid, jnp.int32(M)), axis=0)
    p2n_ref[0, 0, :] = amn
    d2_ref[0, 0, :] = mn[0]
    onehot = amn[None, :] == lax.broadcasted_iota(jnp.int32, (M, NBA), 0)
    fone = jnp.where(onehot, 1.0, 0.0)
    cntf = jnp.dot(fone, jnp.ones((NBA, 8), jnp.float32),
                   preferred_element_type=jnp.float32)
    cnt = cntf[:, 0:1].astype(jnp.int32)

    @pl.when(pl.program_id(0) == 0)
    def _():
        cnt_ref[...] = jnp.zeros((M, 1), jnp.int32)

    cnt_ref[...] += cnt


def _run_a(points_t, nodes):
    return pl.pallas_call(
        _a_body,
        grid=(N // NBA,),
        in_specs=[
            pl.BlockSpec((3, NBA), lambda i: (0, i)),
            pl.BlockSpec((M, 3), lambda i: (0, 0)),
        ],
        out_specs=[
            pl.BlockSpec((1, 1, NBA), lambda i: (i, 0, 0)),
            pl.BlockSpec((1, 1, NBA), lambda i: (i, 0, 0)),
            pl.BlockSpec((M, 1), lambda i: (0, 0)),
        ],
        out_shape=[
            jax.ShapeDtypeStruct((N // NBA, 1, NBA), jnp.int32),
            jax.ShapeDtypeStruct((N // NBA, 1, NBA), jnp.float32),
            jax.ShapeDtypeStruct((M, 1), jnp.int32),
        ],
    )(points_t, nodes)


NBLK = N // NBB
_TRI_STARTS = [t * (2 * NBLK + 1 - t) // 2 for t in range(NBLK + 1)]


def _tri_a(g):
    a = jnp.int32(0)
    for t in range(1, NBLK):
        a = a + (g >= _TRI_STARTS[t]).astype(jnp.int32)
    return a


def _tri_ab(g):
    a = _tri_a(g)
    b = g - a * (2 * NBLK + 1 - a) // 2 + a
    return a, b


def _b_body(p2nj_ref, d2j_ref, p2nk_ref, d2k_ref, rankj_ref, rankk_ref,
            kacc_ref):
    g = pl.program_id(0)
    a, b = _tri_ab(g)
    diag = a == b
    pj = p2nj_ref[0]
    dj = d2j_ref[0]
    pk = p2nk_ref[0, 0, :, :]
    dk = d2k_ref[0, 0, :, :]
    same = pk == pj
    ltm = dk < dj
    fsame = jnp.where(same, 1.0, 0.0)
    fsl = jnp.where(same & ltm, 1.0, 0.0)
    ones_r = jnp.ones((8, NBB), jnp.float32)
    ones_c = jnp.ones((NBB, 8), jnp.float32)

    @pl.when(g == 0)
    def _():
        kacc_ref[...] = jnp.zeros((NBLK, NBB, 1), jnp.int32)

    @pl.when(diag)
    def _():
        jl = lax.broadcasted_iota(jnp.int32, (NBB, NBB), 1)
        kl = lax.broadcasted_iota(jnp.int32, (NBB, NBB), 0)
        fslt = jnp.where(same & (ltm | ((dk == dj) & (kl < jl))), 1.0, 0.0)
        cj = jnp.dot(ones_r, fslt, preferred_element_type=jnp.float32)
        rankj_ref[0, 0, :] = cj[0].astype(jnp.int32)
        rankk_ref[0, :, :] = kacc_ref[a]

    @pl.when(jnp.logical_not(diag))
    def _():
        cj = jnp.dot(ones_r, fsl, preferred_element_type=jnp.float32)
        rankj_ref[0, 0, :] += cj[0].astype(jnp.int32)
        nsame = jnp.dot(fsame, ones_c, preferred_element_type=jnp.float32)
        nsl = jnp.dot(fsl, ones_c, preferred_element_type=jnp.float32)
        kacc_ref[b] += (nsame[:, 0:1] - nsl[:, 0:1]).astype(jnp.int32)


def _run_b(p2n_row, d2_row, p2n_col, d2_col):
    ntri = NBLK * (NBLK + 1) // 2

    def ja(g):
        a, _ = _tri_ab(g)
        return (a, 0, 0)

    def jb3(g):
        _, b = _tri_ab(g)
        return (b, 0, 0)

    def kb4(g):
        _, b = _tri_ab(g)
        return (b, 0, 0, 0)

    return pl.pallas_call(
        _b_body,
        grid=(ntri,),
        in_specs=[
            pl.BlockSpec((1, 1, NBB), ja),
            pl.BlockSpec((1, 1, NBB), ja),
            pl.BlockSpec((1, 1, NBB, 1), kb4),
            pl.BlockSpec((1, 1, NBB, 1), kb4),
        ],
        out_specs=[
            pl.BlockSpec((1, 1, NBB), ja),
            pl.BlockSpec((1, NBB, 1), ja),
        ],
        out_shape=[
            jax.ShapeDtypeStruct((NBLK, 1, NBB), jnp.int32),
            jax.ShapeDtypeStruct((NBLK, NBB, 1), jnp.int32),
        ],
        scratch_shapes=[pltpu.VMEM((NBLK, NBB, 1), jnp.int32)],
    )(p2n_row, d2_row, p2n_col, d2_col)


def _run_c(payload_t, p2n, rank):
    info = plsc.get_sparse_core_info()
    nw = info.num_cores * info.num_subcores
    mpt = M // nw
    ch = 2048
    nst = N // ch
    mesh = plsc.VectorSubcoreMesh(core_axis_name="c", subcore_axis_name="s")

    @functools.partial(
        pl.kernel,
        mesh=mesh,
        compiler_params=pltpu.CompilerParams(needs_layout_passes=False),
        out_type=jax.ShapeDtypeStruct((M // 64, 6 * K * 64), jnp.float32),
        scratch_types=[
            pltpu.VMEM((8, ch), jnp.float32),
            pltpu.VMEM((ch,), jnp.int32),
            pltpu.VMEM((ch,), jnp.int32),
            pltpu.VMEM((6 * K * mpt,), jnp.float32),
        ],
    )
    def c_kernel(payload_hbm, p2n_hbm, rank_hbm, out_hbm, buf, p2n_v, rank_v,
                 tab):
        wid = lax.axis_index("s") * info.num_cores + lax.axis_index("c")
        base_node = wid * mpt

        def stage(st, _):
            pltpu.sync_copy(p2n_hbm.at[pl.ds(st * ch, ch)], p2n_v)
            pltpu.sync_copy(rank_hbm.at[pl.ds(st * ch, ch)], rank_v)
            pltpu.sync_copy(payload_hbm.at[:, pl.ds(st * ch, ch)], buf)

            def chunk(t, _):
                off = t * 16
                p16 = p2n_v[pl.ds(off, 16)]
                r16 = rank_v[pl.ds(off, 16)]
                loc = p16 - base_node
                msk = (loc >= 0) & (loc < mpt) & (r16 < K)
                rowbase = r16 * mpt + loc
                for c in range(6):
                    v16 = buf[c, pl.ds(off, 16)]
                    plsc.store_scatter(tab, [c * (K * mpt) + rowbase], v16,
                                       mask=msk)
                return 0

            lax.fori_loop(0, ch // 16, chunk, 0)
            return 0

        lax.fori_loop(0, nst, stage, 0)
        pltpu.sync_copy(tab, out_hbm.at[wid])

    return c_kernel(payload_t, p2n, rank)


def _signed_angle_cols(ijx, ijy, ijz, nx, ny, nz):
    cx = ijy * nz - ijz * ny
    cy = ijz * nx - ijx * nz
    cz = ijx * ny - ijy * nx
    sin_v = jnp.sqrt(cx * cx + cy * cy + cz * cz)
    cos_v = ijx * nx + ijy * ny + ijz * nz
    ang = lax.atan2(sin_v, cos_v)
    return jnp.where(cos_v < 0.0, -ang, ang)


def _e_body(s_ref, nodes_ref, nn_ref, cnt_ref, hd_ref, hp2n_ref, wb_ref,
            globt_ref, loct_ref):
    i = pl.program_id(0)
    nx = nodes_ref[0:1, :]
    ny = nodes_ref[1:2, :]
    nz = nodes_ref[2:3, :]
    n1x = nn_ref[0:1, :]
    n1y = nn_ref[1:2, :]
    n1z = nn_ref[2:3, :]
    c_row = cnt_ref[...]

    def feats(px, py, pz, knx, kny, knz):
        ijx = px - nx
        ijy = py - ny
        ijz = pz - nz
        d_ind = jnp.sqrt(ijx * ijx + ijy * ijy + ijz * ijz) * SCALE
        a1 = _signed_angle_cols(ijx, ijy, ijz, n1x, n1y, n1z)
        a2 = _signed_angle_cols(-ijx, -ijy, -ijz, knx, kny, knz)
        a3 = _signed_angle_cols(n1x + 0.0 * px, n1y + 0.0 * px,
                                n1z + 0.0 * px, knx, kny, knz)
        return d_ind, a1, a2, a3

    d_a, a1_a, a2_a, a3_a = feats(s_ref[0], s_ref[1], s_ref[2],
                                  s_ref[3], s_ref[4], s_ref[5])
    valid_a = lax.broadcasted_iota(jnp.int32, (K, MBE), 0) < c_row

    px_f = hd_ref[:, 0:1]
    py_f = hd_ref[:, 1:2]
    pz_f = hd_ref[:, 2:3]
    knx_f = hd_ref[:, 3:4]
    kny_f = hd_ref[:, 4:5]
    knz_f = hd_ref[:, 5:6]
    hp2n = hp2n_ref[...]
    ids_row = i * MBE + lax.broadcasted_iota(jnp.int32, (1, MBE), 1)
    m = hp2n != ids_row
    jr = lax.broadcasted_iota(jnp.int32, (64, 64), 0)
    jc = lax.broadcasted_iota(jnp.int32, (64, 64), 1)
    ltri = (jc < jr).astype(jnp.float32)
    poscnt = jnp.dot(ltri, m.astype(jnp.float32),
                     preferred_element_type=jnp.float32)
    navail = (K - c_row).astype(jnp.float32)
    fmask = m & (poscnt < navail)
    d_f, a1_f, a2_f, a3_f = feats(px_f, py_f, pz_f, knx_f, kny_f, knz_f)

    def one_d(d):
        w0 = wb_ref[d, 0]
        w1 = wb_ref[d, 1]
        w2 = wb_ref[d, 2]
        w3 = wb_ref[d, 3]
        bd = wb_ref[d, 4]
        pa = d_a * w0 + a1_a * w1 + a2_a * w2 + a3_a * w3 + bd
        pf = d_f * w0 + a1_f * w1 + a2_f * w2 + a3_f * w3 + bd
        ra = jnp.max(jnp.where(valid_a, pa, NEG), axis=0, keepdims=True)
        rf = jnp.max(jnp.where(fmask, pf, NEG), axis=0, keepdims=True)
        globt_ref[pl.ds(d, 1), :] = jnp.maximum(ra, rf)

    def dstep(h, _):
        one_d(2 * h)
        one_d(2 * h + 1)
        return 0

    lax.fori_loop(0, D_MODEL // 2, dstep, 0)

    rr = lax.broadcasted_iota(jnp.int32, (D_MODEL, 1), 0)
    dsel = rr // NUM_POS_FEATS
    within = rr - dsel * NUM_POS_FEATS
    ef = (2.0 * jnp.floor(within.astype(jnp.float32) / 2.0)) / float(NUM_POS_FEATS)
    dim_t = jnp.power(jnp.float32(TEMPERATURE), ef)
    xsel = jnp.where(dsel == 0, nx, jnp.where(dsel == 1, ny, nz)) * SCALE
    ph = xsel / dim_t
    val = jnp.where(rr % 2 == 0, jnp.sin(ph), jnp.cos(ph))
    loct_ref[...] = jnp.where(rr < 3 * NUM_POS_FEATS, val,
                              jnp.zeros((D_MODEL, MBE), jnp.float32))


def _run_e(s_tab, nodes_t, nn_t, counts_row, hd, hp2n, wb):
    return pl.pallas_call(
        _e_body,
        grid=(M // MBE,),
        in_specs=[
            pl.BlockSpec((6, K, MBE), lambda i: (0, 0, i)),
            pl.BlockSpec((3, MBE), lambda i: (0, i)),
            pl.BlockSpec((3, MBE), lambda i: (0, i)),
            pl.BlockSpec((1, MBE), lambda i: (0, i)),
            pl.BlockSpec((64, 8), lambda i: (0, 0)),
            pl.BlockSpec((64, 1), lambda i: (0, 0)),
            pl.BlockSpec(memory_space=pltpu.SMEM),
        ],
        out_specs=[
            pl.BlockSpec((D_MODEL, MBE), lambda i: (0, i)),
            pl.BlockSpec((D_MODEL, MBE), lambda i: (0, i)),
        ],
        out_shape=[
            jax.ShapeDtypeStruct((D_MODEL, M), jnp.float32),
            jax.ShapeDtypeStruct((D_MODEL, M), jnp.float32),
        ],
    )(s_tab, nodes_t, nn_t, counts_row, hd, hp2n, wb)


def kernel(points, nodes, points_normals, nodes_normals, glo_proj_W,
           glo_proj_b):
    pts = points[0]
    nds = nodes[0]
    pn = points_normals[0]
    nn = nodes_normals[0]

    p2n3, d23, counts2 = _run_a(pts.T, nds)
    p2n = p2n3.reshape(N)
    d2 = d23.reshape(N)
    counts_row = counts2.reshape(1, M)

    nbb = N // NBB
    rj, rk = _run_b(p2n.reshape(nbb, 1, NBB), d2.reshape(nbb, 1, NBB),
                    p2n.reshape(nbb, 1, NBB, 1), d2.reshape(nbb, 1, NBB, 1))
    rank = rj.reshape(N) + rk.reshape(N)

    payload_t = jnp.concatenate(
        [pts.T, pn.T, jnp.zeros((2, N), jnp.float32)], axis=0)
    s_raw = _run_c(payload_t, p2n, rank).reshape(M // 64, 6, K, 64)
    s_tab = jnp.transpose(s_raw, (1, 2, 0, 3)).reshape(6, K, M)

    hd = jnp.concatenate(
        [jnp.concatenate([pts[:K], pn[:K]], axis=1),
         jnp.zeros((64 - K, 6), jnp.float32)], axis=0)
    hd = jnp.concatenate([hd, jnp.zeros((64, 2), jnp.float32)], axis=1)
    hp2n = jnp.concatenate(
        [p2n[:K], jnp.full((64 - K,), -1, jnp.int32)], axis=0).reshape(64, 1)
    wb = jnp.concatenate(
        [glo_proj_W, glo_proj_b[:, None],
         jnp.zeros((D_MODEL, 3), jnp.float32)], axis=1)

    globt, loct = _run_e(s_tab, nds.T, nn.T, counts_row, hd, hp2n, wb)
    return globt.T[None], loct.T[None]

# --- scband reference (transcript-rebuilt; emitter-appended) ---
"""Pipeline reference for scband-ppfembedding-sin-44289702756526 (READ-ONLY COPY).

The authoritative reference and input builder live on the scoring server;
editing this copy changes nothing except your own understanding.
"""

import jax, jax.numpy as jnp
import numpy as np

D_MODEL = 256
ANGLE_K = 50
TEMPERATURE = 10000.0
SCALE = 1.0
N_DIM = 3
NUM_POS_FEATS = (D_MODEL // 3) // 2 * 2
PADDING = D_MODEL - NUM_POS_FEATS * N_DIM


def setup_inputs(seed: int = 0):
    key = jax.random.key(seed)
    k1, k2, k3, k4, k5, k6 = jax.random.split(key, 6)
    B, N, M = 1, 16384, 2048
    points = jax.random.normal(k1, (B, N, 3), dtype=jnp.float32)
    nodes = jax.random.normal(k2, (B, M, 3), dtype=jnp.float32)
    points_normals = jax.random.normal(k3, (B, N, 3), dtype=jnp.float32)
    nodes_normals = jax.random.normal(k4, (B, M, 3), dtype=jnp.float32)
    glo_proj_W = jax.random.normal(k5, (D_MODEL, 4), dtype=jnp.float32) * 0.1
    glo_proj_b = jax.random.normal(k6, (D_MODEL,), dtype=jnp.float32) * 0.01
    return {"points": points, "nodes": nodes, "points_normals": points_normals, "nodes_normals": nodes_normals, "glo_proj_W": glo_proj_W, "glo_proj_b": glo_proj_b}


def _signed_angle(ij, nvec):
    sin_v = jnp.linalg.norm(jnp.cross(ij, nvec), axis=-1)
    cos_v = jnp.sum(ij * nvec, axis=-1)
    ang = jnp.arctan2(sin_v, cos_v)
    return jnp.where(cos_v < 0.0, -ang, ang)


def _embedding_indices(points_b, nodes_b, pn_b, nn_b):
    # point_to_node_partition (GeoTransformer): assign each point to nearest node,
    # mask non-matching pairs, take K nearest matching points per node.
    sq_dist = jnp.sum((nodes_b[:, None, :] - points_b[None, :, :]) ** 2, axis=-1)  # (M, N)
    point_to_node = jnp.argmin(sq_dist, axis=0)  # (N,)
    N = points_b.shape[0]
    M = nodes_b.shape[0]
    matching = jnp.zeros((M, N), dtype=bool).at[point_to_node, jnp.arange(N)].set(True)
    masked = jnp.where(matching, sq_dist, 1e12)
    _, knn_idx = jax.lax.top_k(-masked, ANGLE_K)  # (M, K) smallest distances
    knn_points = points_b[knn_idx]  # (M, K, 3) gather
    knn_normals = pn_b[knn_idx]  # (M, K, 3) gather
    dist_map = jnp.linalg.norm(knn_points - nodes_b[:, None, :], axis=-1)
    d_ind = dist_map * SCALE
    ij = knn_points - nodes_b[:, None, :]
    nvec = jnp.broadcast_to(nn_b[:, None, :], knn_points.shape)
    a_n1_d = _signed_angle(ij, nvec)
    a_n2_d = _signed_angle(nodes_b[:, None, :] - knn_points, knn_normals)
    a_n1_n2 = _signed_angle(nvec, knn_normals)
    return d_ind, a_n1_d, a_n2_d, a_n1_n2


def _forward(points, nodes, points_normals, nodes_normals, glo_proj_W, glo_proj_b):
    B = points.shape[0]
    globs, locs = [], []
    for bi in range(B):
        d_ind, a1, a2, a3 = _embedding_indices(points[bi], nodes[bi], points_normals[bi], nodes_normals[bi])
        # original computes these under torch.no_grad()
        glob = jax.lax.stop_gradient(jnp.stack([d_ind, a1, a2, a3], axis=-1))  # (M, K, 4)
        glob = glob @ glo_proj_W.T + glo_proj_b  # (M, K, D)
        glob = jnp.max(glob, axis=-2)  # (M, D) reduction_a='max'
        globs.append(glob)
        dim_t = jnp.arange(NUM_POS_FEATS, dtype=jnp.float32)
        dim_t = TEMPERATURE ** (2.0 * jnp.floor(dim_t / 2.0) / NUM_POS_FEATS)
        nodes_s = nodes[bi] * SCALE
        pos_div = nodes_s[..., None] / dim_t  # (M, 3, F)
        pos_sin = jnp.sin(pos_div[..., 0::2])
        pos_cos = jnp.cos(pos_div[..., 1::2])
        pos_emb = jnp.stack([pos_sin, pos_cos], axis=-1).reshape(nodes_s.shape[0], -1)
        pos_emb = jnp.pad(pos_emb, ((0, 0), (0, PADDING)))  # (M, D)
        locs.append(pos_emb)
    return jnp.stack(globs, axis=0), jnp.stack(locs, axis=0)


def reference(points, nodes, points_normals, nodes_normals, glo_proj_W, glo_proj_b):
    return _forward(points, nodes, points_normals, nodes_normals, glo_proj_W, glo_proj_b)

if __name__ == "__main__":
    import jax
    _d = setup_inputs()
    print(jax.jit(kernel)(*tuple(_d.values())))

</pallas_src>

<mosaic_0001>
#map = affine_map<(d0, d1) -> (0, 0)>
#map1 = affine_map<(d0, d1) -> (0)>
module attributes {stable_mosaic.version = 14 : i64} {
  func.func @c_kernel(%arg0: i32, %arg1: i32, %arg2: memref<8x16384xf32, #tpu.memory_space<hbm>>, %arg3: memref<16384xi32, #tpu.memory_space<hbm>>, %arg4: memref<16384xi32, #tpu.memory_space<hbm>>, %arg5: memref<32x19200xf32, #tpu.memory_space<hbm>>, %arg6: memref<8x2048xf32, #tpu.memory_space<vmem>>, %arg7: memref<2048xi32, #tpu.memory_space<vmem>>, %arg8: memref<2048xi32, #tpu.memory_space<vmem>>, %arg9: memref<19200xf32, #tpu.memory_space<vmem>>) attributes {dimension_semantics = [#tpu.dimension_semantics<core_parallel>, #tpu.dimension_semantics<subcore_parallel>], iteration_bounds = array<i64: 2, 16>, scalar_prefetch = 0 : i64, scratch_operands = 4 : i64, tpu.core_type = #tpu.core_type<sc_vector_subcore>, window_params = [{transform_indices = #map}, {transform_indices = #map1}, {transform_indices = #map1}, {transform_indices = #map}]} {
    %mul3A = arith.constant 2 : i32
    %mul3A_0 = arith.muli %arg1, %mul3A : i32
    %add3A = arith.addi %mul3A_0, %arg0 : i32
    %mul3A_1 = arith.constant 64 : i32
    %mul3A_2 = arith.muli %add3A, %mul3A_1 : i32
    %scan3A = arith.constant 0 : i32
    %scan3A_3 = arith.constant 0 : i32
    %scan3A_4 = arith.constant 8 : i32
    %scan3A_5 = arith.addi %scan3A_3, %scan3A_4 : i32
    %scan3A_6 = arith.constant 1 : i32
    %scan3A_7 = scf.for %scan3A_9 = %scan3A_3 to %scan3A_5 step %scan3A_6 iter_args(%scan3A_10 = %scan3A) -> (i32)  : i32 {
      %mul3A_11 = arith.constant 2048 : i32
      %mul3A_12 = arith.muli %scan3A_9, %mul3A_11 : i32
      "tpu.region"() ({
        %run_scoped3A = tpu.sem_alloc : memref<!tpu.dma_semaphore, #tpu.memory_space<semaphore_mem>>
        %dma_start3A = tpu.memref_slice %arg3[%mul3A_12] : memref<16384xi32, #tpu.memory_space<hbm>> -> memref<2048xi32, #tpu.memory_space<hbm>>
        %dma_start3A_25 = tpu.memref_slice %arg3[%mul3A_12] : memref<16384xi32, #tpu.memory_space<hbm>> -> memref<2048xi32, #tpu.memory_space<hbm>>
        tpu.enqueue_dma source(%dma_start3A_25 : memref<2048xi32, #tpu.memory_space<hbm>>) target(%arg7 : memref<2048xi32, #tpu.memory_space<vmem>>) target_semaphore(%run_scoped3A : memref<!tpu.dma_semaphore, #tpu.memory_space<semaphore_mem>>)
        %dma_wait3A = tpu.memref_slice %arg3[%mul3A_12] : memref<16384xi32, #tpu.memory_space<hbm>> -> memref<2048xi32, #tpu.memory_space<hbm>>
        %dma_wait3A_26 = tpu.memref_slice %arg3[%mul3A_12] : memref<16384xi32, #tpu.memory_space<hbm>> -> memref<2048xi32, #tpu.memory_space<hbm>>
        tpu.wait_dma2 semaphore(%run_scoped3A : memref<!tpu.dma_semaphore, #tpu.memory_space<semaphore_mem>>) src(%dma_wait3A_26 : memref<2048xi32, #tpu.memory_space<hbm>>) dst(%arg7 : memref<2048xi32, #tpu.memory_space<vmem>>)
        tpu.yield
      }) : () -> ()
      %mul3A_13 = arith.constant 2048 : i32
      %mul3A_14 = arith.muli %scan3A_9, %mul3A_13 : i32
      "tpu.region"() ({
        %run_scoped3A = tpu.sem_alloc : memref<!tpu.dma_semaphore, #tpu.memory_space<semaphore_mem>>
        %dma_start3A = tpu.memref_slice %arg4[%mul3A_14] : memref<16384xi32, #tpu.memory_space<hbm>> -> memref<2048xi32, #tpu.memory_space<hbm>>
        %dma_start3A_25 = tpu.memref_slice %arg4[%mul3A_14] : memref<16384xi32, #tpu.memory_space<hbm>> -> memref<2048xi32, #tpu.memory_space<hbm>>
        tpu.enqueue_dma source(%dma_start3A_25 : memref<2048xi32, #tpu.memory_space<hbm>>) target(%arg8 : memref<2048xi32, #tpu.memory_space<vmem>>) target_semaphore(%run_scoped3A : memref<!tpu.dma_semaphore, #tpu.memory_space<semaphore_mem>>)
        %dma_wait3A = tpu.memref_slice %arg4[%mul3A_14] : memref<16384xi32, #tpu.memory_space<hbm>> -> memref<2048xi32, #tpu.memory_space<hbm>>
        %dma_wait3A_26 = tpu.memref_slice %arg4[%mul3A_14] : memref<16384xi32, #tpu.memory_space<hbm>> -> memref<2048xi32, #tpu.memory_space<hbm>>
        tpu.wait_dma2 semaphore(%run_scoped3A : memref<!tpu.dma_semaphore, #tpu.memory_space<semaphore_mem>>) src(%dma_wait3A_26 : memref<2048xi32, #tpu.memory_space<hbm>>) dst(%arg8 : memref<2048xi32, #tpu.memory_space<vmem>>)
        tpu.yield
      }) : () -> ()
      %mul3A_15 = arith.constant 2048 : i32
      %mul3A_16 = arith.muli %scan3A_9, %mul3A_15 : i32
      "tpu.region"() ({
        %run_scoped3A = tpu.sem_alloc : memref<!tpu.dma_semaphore, #tpu.memory_space<semaphore_mem>>
        %dma_start3A = arith.constant 0 : i32
        %dma_start3A_25 = tpu.memref_slice %arg2[%dma_start3A, %mul3A_16] : memref<8x16384xf32, #tpu.memory_space<hbm>> -> memref<8x2048xf32, #tpu.memory_space<hbm>>
        %dma_start3A_26 = arith.constant 0 : i32
        %dma_start3A_27 = tpu.memref_slice %arg2[%dma_start3A_26, %mul3A_16] : memref<8x16384xf32, #tpu.memory_space<hbm>> -> memref<8x2048xf32, #tpu.memory_space<hbm>>
        tpu.enqueue_dma source(%dma_start3A_27 : memref<8x2048xf32, #tpu.memory_space<hbm>>) target(%arg6 : memref<8x2048xf32, #tpu.memory_space<vmem>>) target_semaphore(%run_scoped3A : memref<!tpu.dma_semaphore, #tpu.memory_space<semaphore_mem>>)
        %dma_wait3A = arith.constant 0 : i32
        %dma_wait3A_28 = tpu.memref_slice %arg2[%dma_wait3A, %mul3A_16] : memref<8x16384xf32, #tpu.memory_space<hbm>> -> memref<8x2048xf32, #tpu.memory_space<hbm>>
        %dma_wait3A_29 = arith.constant 0 : i32
        %dma_wait3A_30 = tpu.memref_slice %arg2[%dma_wait3A_29, %mul3A_16] : memref<8x16384xf32, #tpu.memory_space<hbm>> -> memref<8x2048xf32, #tpu.memory_space<hbm>>
        tpu.wait_dma2 semaphore(%run_scoped3A : memref<!tpu.dma_semaphore, #tpu.memory_space<semaphore_mem>>) src(%dma_wait3A_30 : memref<8x2048xf32, #tpu.memory_space<hbm>>) dst(%arg6 : memref<8x2048xf32, #tpu.memory_space<vmem>>)
        tpu.yield
      }) : () -> ()
      %scan3A_17 = arith.constant 0 : i32
      %scan3A_18 = arith.constant 0 : i32
      %scan3A_19 = arith.constant 128 : i32
      %scan3A_20 = arith.addi %scan3A_18, %scan3A_19 : i32
      %scan3A_21 = arith.constant 1 : i32
      %scan3A_22 = scf.for %scan3A_25 = %scan3A_18 to %scan3A_20 step %scan3A_21 iter_args(%scan3A_26 = %scan3A_17) -> (i32)  : i32 {
        %mul3A_27 = arith.constant 16 : i32
        %mul3A_28 = arith.muli %scan3A_25, %mul3A_27 : i32
        %get3A = arith.index_cast %mul3A_28 : i32 to index
        %get3A_29 = tpu.vector_load %arg7[%get3A] {strides = array<i32>} : memref<2048xi32, #tpu.memory_space<vmem>>, vector<16xi32>,
        %get3A_30 = arith.index_cast %mul3A_28 : i32 to index
        %get3A_31 = tpu.vector_load %arg8[%get3A_30] {strides = array<i32>} : memref<2048xi32, #tpu.memory_space<vmem>>, vector<16xi32>,
        %sub3A = vector.broadcast %mul3A_2 : i32 to vector<16xi32>
        %sub3A_32 = arith.subi %get3A_29, %sub3A : vector<16xi32>
        %ge3A = arith.constant 0 : i32
        %ge3A_33 = vector.broadcast %ge3A : i32 to vector<16xi32>
        %ge3A_34 = arith.cmpi sge, %sub3A_32, %ge3A_33 : vector<16xi32>
        %lt3A = arith.constant 64 : i32
        %lt3A_35 = vector.broadcast %lt3A : i32 to vector<16xi32>
        %lt3A_36 = arith.cmpi slt, %sub3A_32, %lt3A_35 : vector<16xi32>
        %and3A = arith.andi %ge3A_34, %lt3A_36 : vector<16xi1>
        %lt3A_37 = arith.constant 50 : i32
        %lt3A_38 = vector.broadcast %lt3A_37 : i32 to vector<16xi32>
        %lt3A_39 = arith.cmpi slt, %get3A_31, %lt3A_38 : vector<16xi32>
        %and3A_40 = arith.andi %and3A, %lt3A_39 : vector<16xi1>
        %mul3A_41 = arith.constant 64 : i32
        %mul3A_42 = vector.broadcast %mul3A_41 : i32 to vector<16xi32>
        %mul3A_43 = arith.muli %get3A_31, %mul3A_42 : vector<16xi32>
        %add3A_44 = arith.addi %mul3A_43, %sub3A_32 : vector<16xi32>
        %get3A_45 = arith.constant 0 : i32
        %get3A_46 = arith.index_cast %get3A_45 : i32 to index
        %get3A_47 = arith.index_cast %mul3A_28 : i32 to index
        %get3A_48 = tpu.vector_load %arg6[%get3A_46, %get3A_47] {strides = array<i32>} : memref<8x2048xf32, #tpu.memory_space<vmem>>, vector<16xf32>,
        %add3A_49 = arith.constant 0 : i32
        %add3A_50 = vector.broadcast %add3A_49 : i32 to vector<16xi32>
        %add3A_51 = arith.addi %add3A_50, %add3A_44 : vector<16xi32>
        tpu.vector_store_idx %arg9[%add3A_51], %get3A_48 masked %and3A_40 : memref<19200xf32, #tpu.memory_space<vmem>>[vector<16xi32>], vector<16xf32>, vector<16xi1>
        %get3A_52 = arith.constant 1 : i32
        %get3A_53 = arith.index_cast %get3A_52 : i32 to index
        %get3A_54 = arith.index_cast %mul3A_28 : i32 to index
        %get3A_55 = tpu.vector_load %arg6[%get3A_53, %get3A_54] {strides = array<i32>} : memref<8x2048xf32, #tpu.memory_space<vmem>>, vector<16xf32>,
        %add3A_56 = arith.constant 3200 : i32
        %add3A_57 = vector.broadcast %add3A_56 : i32 to vector<16xi32>
        %add3A_58 = arith.addi %add3A_57, %add3A_44 : vector<16xi32>
        tpu.vector_store_idx %arg9[%add3A_58], %get3A_55 masked %and3A_40 : memref<19200xf32, #tpu.memory_space<vmem>>[vector<16xi32>], vector<16xf32>, vector<16xi1>
        %get3A_59 = arith.constant 2 : i32
        %get3A_60 = arith.index_cast %get3A_59 : i32 to index
        %get3A_61 = arith.index_cast %mul3A_28 : i32 to index
        %get3A_62 = tpu.vector_load %arg6[%get3A_60, %get3A_61] {strides = array<i32>} : memref<8x2048xf32, #tpu.memory_space<vmem>>, vector<16xf32>,
        %add3A_63 = arith.constant 6400 : i32
        %add3A_64 = vector.broadcast %add3A_63 : i32 to vector<16xi32>
        %add3A_65 = arith.addi %add3A_64, %add3A_44 : vector<16xi32>
        tpu.vector_store_idx %arg9[%add3A_65], %get3A_62 masked %and3A_40 : memref<19200xf32, #tpu.memory_space<vmem>>[vector<16xi32>], vector<16xf32>, vector<16xi1>
        %get3A_66 = arith.constant 3 : i32
        %get3A_67 = arith.index_cast %get3A_66 : i32 to index
        %get3A_68 = arith.index_cast %mul3A_28 : i32 to index
        %get3A_69 = tpu.vector_load %arg6[%get3A_67, %get3A_68] {strides = array<i32>} : memref<8x2048xf32, #tpu.memory_space<vmem>>, vector<16xf32>,
        %add3A_70 = arith.constant 9600 : i32
        %add3A_71 = vector.broadcast %add3A_70 : i32 to vector<16xi32>
        %add3A_72 = arith.addi %add3A_71, %add3A_44 : vector<16xi32>
        tpu.vector_store_idx %arg9[%add3A_72], %get3A_69 masked %and3A_40 : memref<19200xf32, #tpu.memory_space<vmem>>[vector<16xi32>], vector<16xf32>, vector<16xi1>
        %get3A_73 = arith.constant 4 : i32
        %get3A_74 = arith.index_cast %get3A_73 : i32 to index
        %get3A_75 = arith.index_cast %mul3A_28 : i32 to index
        %get3A_76 = tpu.vector_load %arg6[%get3A_74, %get3A_75] {strides = array<i32>} : memref<8x2048xf32, #tpu.memory_space<vmem>>, vector<16xf32>,
        %add3A_77 = arith.constant 12800 : i32
        %add3A_78 = vector.broadcast %add3A_77 : i32 to vector<16xi32>
        %add3A_79 = arith.addi %add3A_78, %add3A_44 : vector<16xi32>
        tpu.vector_store_idx %arg9[%add3A_79], %get3A_76 masked %and3A_40 : memref<19200xf32, #tpu.memory_space<vmem>>[vector<16xi32>], vector<16xf32>, vector<16xi1>
        %get3A_80 = arith.constant 5 : i32
        %get3A_81 = arith.index_cast %get3A_80 : i32 to index
        %get3A_82 = arith.index_cast %mul3A_28 : i32 to index
        %get3A_83 = tpu.vector_load %arg6[%get3A_81, %get3A_82] {strides = array<i32>} : memref<8x2048xf32, #tpu.memory_space<vmem>>, vector<16xf32>,
        %add3A_84 = arith.constant 16000 : i32
        %add3A_85 = vector.broadcast %add3A_84 : i32 to vector<16xi32>
        %add3A_86 = arith.addi %add3A_85, %add3A_44 : vector<16xi32>
        tpu.vector_store_idx %arg9[%add3A_86], %get3A_83 masked %and3A_40 : memref<19200xf32, #tpu.memory_space<vmem>>[vector<16xi32>], vector<16xf32>, vector<16xi1>
        %scan3A_87 = arith.constant 0 : i32
        scf.yield %scan3A_87 : i32
      }
      %scan3A_23 = arith.constant 128 : i32
      %scan3A_24 = arith.constant 0 : i32
      scf.yield %scan3A_24 : i32
    }
    %scan3A_8 = arith.constant 8 : i32
    "tpu.region"() ({
      %run_scoped3A = tpu.sem_alloc : memref<!tpu.dma_semaphore, #tpu.memory_space<semaphore_mem>>
      %dma_start3A = arith.constant 0 : i32
      %dma_start3A_9 = tpu.memref_slice %arg5[%add3A, %dma_start3A] : memref<32x19200xf32, #tpu.memory_space<hbm>> -> memref<1x19200xf32, #tpu.memory_space<hbm>>
      %dma_start3A_10 = tpu.memref_squeeze %dma_start3A_9 : memref<1x19200xf32, #tpu.memory_space<hbm>> -> memref<19200xf32, #tpu.memory_space<hbm>>
      %dma_start3A_11 = arith.constant 0 : i32
      %dma_start3A_12 = tpu.memref_slice %arg5[%add3A, %dma_start3A_11] : memref<32x19200xf32, #tpu.memory_space<hbm>> -> memref<1x19200xf32, #tpu.memory_space<hbm>>
      %dma_start3A_13 = tpu.memref_squeeze %dma_start3A_12 : memref<1x19200xf32, #tpu.memory_space<hbm>> -> memref<19200xf32, #tpu.memory_space<hbm>>
      tpu.enqueue_dma source(%arg9 : memref<19200xf32, #tpu.memory_space<vmem>>) target(%dma_start3A_13 : memref<19200xf32, #tpu.memory_space<hbm>>) target_semaphore(%run_scoped3A : memref<!tpu.dma_semaphore, #tpu.memory_space<semaphore_mem>>)
      %dma_wait3A = arith.constant 0 : i32
      %dma_wait3A_14 = tpu.memref_slice %arg5[%add3A, %dma_wait3A] : memref<32x19200xf32, #tpu.memory_space<hbm>> -> memref<1x19200xf32, #tpu.memory_space<hbm>>
      %dma_wait3A_15 = tpu.memref_squeeze %dma_wait3A_14 : memref<1x19200xf32, #tpu.memory_space<hbm>> -> memref<19200xf32, #tpu.memory_space<hbm>>
      %dma_wait3A_16 = arith.constant 0 : i32
      %dma_wait3A_17 = tpu.memref_slice %arg5[%add3A, %dma_wait3A_16] : memref<32x19200xf32, #tpu.memory_space<hbm>> -> memref<1x19200xf32, #tpu.memory_space<hbm>>
      %dma_wait3A_18 = tpu.memref_squeeze %dma_wait3A_17 : memref<1x19200xf32, #tpu.memory_space<hbm>> -> memref<19200xf32, #tpu.memory_space<hbm>>
      tpu.wait_dma2 semaphore(%run_scoped3A : memref<!tpu.dma_semaphore, #tpu.memory_space<semaphore_mem>>) src(%arg9 : memref<19200xf32, #tpu.memory_space<vmem>>) dst(%dma_wait3A_18 : memref<19200xf32, #tpu.memory_space<hbm>>)
      tpu.yield
    }) : () -> ()
    return
  }
}

module attributes {stable_mosaic.version = 14 : i64} {
  func.func @_a_body(%arg0: i32, %arg1: memref<3x512xf32, #tpu.memory_space<vmem>>, %arg2: memref<2048x3xf32, #tpu.memory_space<vmem>>, %arg3: memref<1x1x512xi32, #tpu.memory_space<vmem>>, %arg4: memref<1x1x512xf32, #tpu.memory_space<vmem>>, %arg5: memref<2048x1xi32, #tpu.memory_space<vmem>>) attributes {dimension_semantics = [#tpu.dimension_semantics<arbitrary>], iteration_bounds = array<i64: 32>, scalar_prefetch = 0 : i64, scratch_operands = 0 : i64, tpu.core_type = #tpu.core_type<tc>, window_params = [{transform_indices = @transform_0, window_bounds = array<i64: 3, 512>}, {pipeline_mode = #tpu.pipeline_mode<synchronous>, transform_indices = @transform_1, window_bounds = array<i64: 2048, 3>}, {transform_indices = @transform_2, window_bounds = array<i64: 1, 1, 512>}, {transform_indices = @transform_3, window_bounds = array<i64: 1, 1, 512>}, {pipeline_mode = #tpu.pipeline_mode<synchronous>, transform_indices = @transform_4, window_bounds = array<i64: 2048, 1>}]} {
    %get3A = arith.constant 0 : index
    %get3A_0 = arith.constant 0 : index
    %get3A_1 = vector.load %arg1[%get3A, %get3A_0] : memref<3x512xf32, #tpu.memory_space<vmem>>, vector<1x512xf32>
    %get3A_2 = arith.constant 1 : index
    %get3A_3 = arith.constant 0 : index
    %get3A_4 = vector.load %arg1[%get3A_2, %get3A_3] : memref<3x512xf32, #tpu.memory_space<vmem>>, vector<1x512xf32>
    %get3A_5 = arith.constant 2 : index
    %get3A_6 = arith.constant 0 : index
    %get3A_7 = vector.load %arg1[%get3A_5, %get3A_6] : memref<3x512xf32, #tpu.memory_space<vmem>>, vector<1x512xf32>
    %get3A_8 = arith.constant 0 : index
    %get3A_9 = arith.constant 0 : index
    %get3A_10 = vector.load %arg2[%get3A_8, %get3A_9] : memref<2048x3xf32, #tpu.memory_space<vmem>>, vector<2048x1xf32>
    %get3A_11 = arith.constant 0 : index
    %get3A_12 = arith.constant 1 : index
    %get3A_13 = vector.load %arg2[%get3A_11, %get3A_12] : memref<2048x3xf32, #tpu.memory_space<vmem>>, vector<2048x1xf32>
    %get3A_14 = arith.constant 0 : index
    %get3A_15 = arith.constant 2 : index
    %get3A_16 = vector.load %arg2[%get3A_14, %get3A_15] : memref<2048x3xf32, #tpu.memory_space<vmem>>, vector<2048x1xf32>
    %sub3A = vector.broadcast %get3A_10 : vector<2048x1xf32> to vector<2048x512xf32>
    %sub3A_17 = vector.broadcast %get3A_1 : vector<1x512xf32> to vector<2048x512xf32>
    %sub3A_18 = arith.subf %sub3A, %sub3A_17 : vector<2048x512xf32>
    %sub3A_19 = vector.broadcast %get3A_13 : vector<2048x1xf32> to vector<2048x512xf32>
    %sub3A_20 = vector.broadcast %get3A_4 : vector<1x512xf32> to vector<2048x512xf32>
    %sub3A_21 = arith.subf %sub3A_19, %sub3A_20 : vector<2048x512xf32>
    %sub3A_22 = vector.broadcast %get3A_16 : vector<2048x1xf32> to vector<2048x512xf32>
    %sub3A_23 = vector.broadcast %get3A_7 : vector<1x512xf32> to vector<2048x512xf32>
    %sub3A_24 = arith.subf %sub3A_22, %sub3A_23 : vector<2048x512xf32>
    %mul3A = arith.mulf %sub3A_18, %sub3A_18 : vector<2048x512xf32>
    %mul3A_25 = arith.mulf %sub3A_21, %sub3A_21 : vector<2048x512xf32>
    %add3A = arith.addf %mul3A, %mul3A_25 : vector<2048x512xf32>
    %mul3A_26 = arith.mulf %sub3A_24, %sub3A_24 : vector<2048x512xf32>
    %add3A_27 = arith.addf %add3A, %mul3A_26 : vector<2048x512xf32>
    %reduce_min3A = arith.constant dense<0x7F800000> : vector<512xf32>
    %reduce_min3A_28 = vector.multi_reduction <minimumf>, %add3A_27, %reduce_min3A [0] : vector<2048x512xf32> to vector<512xf32>
    %broadcast_in_dim3A = vector.shape_cast %reduce_min3A_28 : vector<512xf32> to vector<1x512xf32>
    %iota3A = tpu.iota {dimensions = array<i32: 0>} : vector<2048x512xi32>
    %eq3A = vector.broadcast %broadcast_in_dim3A : vector<1x512xf32> to vector<2048x512xf32>
    %eq3A_29 = arith.cmpf oeq, %add3A_27, %eq3A : vector<2048x512xf32>
    %jit3A = arith.constant 2048 : i32
    %broadcast_in_dim3A_30 = vector.broadcast %jit3A : i32 to vector<2048x512xi32>
    %select_n3A = arith.select %eq3A_29, %iota3A, %broadcast_in_dim3A_30 : vector<2048x512xi1>, vector<2048x512xi32>
    %reduce_min3A_31 = arith.constant dense<2147483647> : vector<512xi32>
    %reduce_min3A_32 = vector.multi_reduction <minsi>, %select_n3A, %reduce_min3A_31 [0] : vector<2048x512xi32> to vector<512xi32>
    %swap3A = arith.constant 0 : index
    %swap3A_33 = arith.constant 0 : index
    %swap3A_34 = arith.constant 0 : index
    %swap3A_35 = vector.load %arg3[%swap3A, %swap3A_33, %swap3A_34] : memref<1x1x512xi32, #tpu.memory_space<vmem>>, vector<1x1x512xi32>
    %swap3A_36 = vector.shape_cast %swap3A_35 : vector<1x1x512xi32> to vector<512xi32>
    %swap3A_37 = vector.shape_cast %reduce_min3A_32 : vector<512xi32> to vector<1x1x512xi32>
    tpu.vector_store %arg3[%swap3A, %swap3A_33, %swap3A_34], %swap3A_37 {strides = array<i32>} : memref<1x1x512xi32, #tpu.memory_space<vmem>>, vector<1x1x512xi32>,
    %squeeze3A = vector.shape_cast %broadcast_in_dim3A : vector<1x512xf32> to vector<512xf32>
    %swap3A_38 = arith.constant 0 : index
    %swap3A_39 = arith.constant 0 : index
    %swap3A_40 = arith.constant 0 : index
    %swap3A_41 = vector.load %arg4[%swap3A_38, %swap3A_39, %swap3A_40] : memref<1x1x512xf32, #tpu.memory_space<vmem>>, vector<1x1x512xf32>
    %swap3A_42 = vector.shape_cast %swap3A_41 : vector<1x1x512xf32> to vector<512xf32>
    %swap3A_43 = vector.shape_cast %squeeze3A : vector<512xf32> to vector<1x1x512xf32>
    tpu.vector_store %arg4[%swap3A_38, %swap3A_39, %swap3A_40], %swap3A_43 {strides = array<i32>} : memref<1x1x512xf32, #tpu.memory_space<vmem>>, vector<1x1x512xf32>,
    %broadcast_in_dim3A_44 = vector.shape_cast %reduce_min3A_32 : vector<512xi32> to vector<1x512xi32>
    %iota3A_45 = tpu.iota {dimensions = array<i32: 0>} : vector<2048x512xi32>
    %eq3A_46 = vector.broadcast %broadcast_in_dim3A_44 : vector<1x512xi32> to vector<2048x512xi32>
    %eq3A_47 = arith.cmpi eq, %eq3A_46, %iota3A_45 : vector<2048x512xi32>
    %jit3A_48 = arith.constant 1.000000e+00 : f32
    %jit3A_49 = arith.constant 0.000000e+00 : f32
    %broadcast_in_dim3A_50 = vector.broadcast %jit3A_48 : f32 to vector<2048x512xf32>
    %broadcast_in_dim3A_51 = vector.broadcast %jit3A_49 : f32 to vector<2048x512xf32>
    %select_n3A_52 = arith.select %eq3A_47, %broadcast_in_dim3A_50, %broadcast_in_dim3A_51 : vector<2048x512xi1>, vector<2048x512xf32>
    %broadcast_in_dim3A_53 = arith.constant 1.000000e+00 : f32
    %broadcast_in_dim3A_54 = vector.broadcast %broadcast_in_dim3A_53 : f32 to vector<512x8xf32>
    %dot_general3A = arith.constant dense<0.000000e+00> : vector<2048x8xf32>
    %dot_general3A_55 = tpu.matmul %select_n3A_52, %broadcast_in_dim3A_54, %dot_general3A {dimension_numbers = #tpu.dot_dimension_numbers<[1], [0], [0], [1], [0, 0, 1, 1], [], []>, transpose_lhs_hint = false} : vector<2048x512xf32>, vector<512x8xf32>, vector<2048x8xf32> -> vector<2048x8xf32>
    %slice3A = vector.extract_strided_slice %dot_general3A_55 {offsets = [0, 0], sizes = [2048, 1], strides = [1, 1]} : vector<2048x8xf32> to vector<2048x1xf32>
    %convert_element_type3A = arith.fptosi %slice3A : vector<2048x1xf32> to vector<2048x1xi32>
    %eq3A_56 = arith.constant 0 : i32
    %eq3A_57 = arith.cmpi eq, %arg0, %eq3A_56 : i32
    %convert_element_type3A_58 = arith.extui %eq3A_57 : i1 to i32
    %cond3A = arith.constant 0 : i32
    %cond3A_59 = arith.cmpi ne, %convert_element_type3A_58, %cond3A : i32
    scf.if %cond3A_59 {
      %broadcast_in_dim3A_67 = arith.constant 0 : i32
      %broadcast_in_dim3A_68 = vector.broadcast %broadcast_in_dim3A_67 : i32 to vector<2048x1xi32>
      %swap3A_69 = arith.constant 0 : index
      %swap3A_70 = arith.constant 0 : index
      %swap3A_71 = vector.load %arg5[%swap3A_69, %swap3A_70] : memref<2048x1xi32, #tpu.memory_space<vmem>>, vector<2048x1xi32>
      tpu.vector_store %arg5[%swap3A_69, %swap3A_70], %broadcast_in_dim3A_68 {strides = array<i32>} : memref<2048x1xi32, #tpu.memory_space<vmem>>, vector<2048x1xi32>,
    } else {
    }
    %get3A_60 = arith.constant 0 : index
    %get3A_61 = arith.constant 0 : index
    %get3A_62 = vector.load %arg5[%get3A_60, %get3A_61] : memref<2048x1xi32, #tpu.memory_space<vmem>>, vector<2048x1xi32>
    %add3A_63 = arith.addi %get3A_62, %convert_element_type3A : vector<2048x1xi32>
    %swap3A_64 = arith.constant 0 : index
    %swap3A_65 = arith.constant 0 : index
    %swap3A_66 = vector.load %arg5[%swap3A_64, %swap3A_65] : memref<2048x1xi32, #tpu.memory_space<vmem>>, vector<2048x1xi32>
    tpu.vector_store %arg5[%swap3A_64, %swap3A_65], %add3A_63 {strides = array<i32>} : memref<2048x1xi32, #tpu.memory_space<vmem>>, vector<2048x1xi32>,
    return
  }
  func.func @transform_0(%arg0: i32) -> (i32, i32) {
    %c0_i32 = arith.constant 0 : i32
    %c0_i32_0 = arith.constant 0 : i32
    return %c0_i32, %arg0 : i32, i32
  }
  func.func @transform_1(%arg0: i32) -> (i32, i32) {
    %c0_i32 = arith.constant 0 : i32
    %c0_i32_0 = arith.constant 0 : i32
    %c0_i32_1 = arith.constant 0 : i32
    return %c0_i32, %c0_i32_0 : i32, i32
  }
  func.func @transform_2(%arg0: i32) -> (i32, i32, i32) {
    %c0_i32 = arith.constant 0 : i32
    %c0_i32_0 = arith.constant 0 : i32
    %c0_i32_1 = arith.constant 0 : i32
    return %arg0, %c0_i32, %c0_i32_0 : i32, i32, i32
  }
  func.func @transform_3(%arg0: i32) -> (i32, i32, i32) {
    %c0_i32 = arith.constant 0 : i32
    %c0_i32_0 = arith.constant 0 : i32
    %c0_i32_1 = arith.constant 0 : i32
    return %arg0, %c0_i32, %c0_i32_0 : i32, i32, i32
  }
  func.func @transform_4(%arg0: i32) -> (i32, i32) {
    %c0_i32 = arith.constant 0 : i32
    %c0_i32_0 = arith.constant 0 : i32
    %c0_i32_1 = arith.constant 0 : i32
    return %c0_i32, %c0_i32_0 : i32, i32
  }
}

module attributes {stable_mosaic.version = 14 : i64} {
  func.func @_b_body(%arg0: i32, %arg1: memref<1x1x1024xi32, #tpu.memory_space<vmem>>, %arg2: memref<1x1x1024xf32, #tpu.memory_space<vmem>>, %arg3: memref<1x1x1024x1xi32, #tpu.memory_space<vmem>>, %arg4: memref<1x1x1024x1xf32, #tpu.memory_space<vmem>>, %arg5: memref<1x1x1024xi32, #tpu.memory_space<vmem>>, %arg6: memref<1x1024x1xi32, #tpu.memory_space<vmem>>, %arg7: memref<16x1024x1xi32, #tpu.memory_space<vmem>>) attributes {dimension_semantics = [#tpu.dimension_semantics<arbitrary>], iteration_bounds = array<i64: 136>, scalar_prefetch = 0 : i64, scratch_operands = 1 : i64, tpu.core_type = #tpu.core_type<tc>, window_params = [{transform_indices = @transform_0, window_bounds = array<i64: 1, 1, 1024>}, {transform_indices = @transform_1, window_bounds = array<i64: 1, 1, 1024>}, {transform_indices = @transform_2, window_bounds = array<i64: 1, 1, 1024, 1>}, {transform_indices = @transform_3, window_bounds = array<i64: 1, 1, 1024, 1>}, {transform_indices = @transform_4, window_bounds = array<i64: 1, 1, 1024>}, {transform_indices = @transform_5, window_bounds = array<i64: 1, 1024, 1>}]} {
    %ge3A = arith.constant 16 : i32
    %ge3A_0 = arith.cmpi sge, %arg0, %ge3A : i32
    %convert_element_type3A = arith.extui %ge3A_0 : i1 to i32
    %add3A = arith.constant 0 : i32
    %add3A_1 = arith.addi %add3A, %convert_element_type3A : i32
    %ge3A_2 = arith.constant 31 : i32
    %ge3A_3 = arith.cmpi sge, %arg0, %ge3A_2 : i32
    %convert_element_type3A_4 = arith.extui %ge3A_3 : i1 to i32
    %add3A_5 = arith.addi %add3A_1, %convert_element_type3A_4 : i32
    %ge3A_6 = arith.constant 45 : i32
    %ge3A_7 = arith.cmpi sge, %arg0, %ge3A_6 : i32
    %convert_element_type3A_8 = arith.extui %ge3A_7 : i1 to i32
    %add3A_9 = arith.addi %add3A_5, %convert_element_type3A_8 : i32
    %ge3A_10 = arith.constant 58 : i32
    %ge3A_11 = arith.cmpi sge, %arg0, %ge3A_10 : i32
    %convert_element_type3A_12 = arith.extui %ge3A_11 : i1 to i32
    %add3A_13 = arith.addi %add3A_9, %convert_element_type3A_12 : i32
    %ge3A_14 = arith.constant 70 : i32
    %ge3A_15 = arith.cmpi sge, %arg0, %ge3A_14 : i32
    %convert_element_type3A_16 = arith.extui %ge3A_15 : i1 to i32
    %add3A_17 = arith.addi %add3A_13, %convert_element_type3A_16 : i32
    %ge3A_18 = arith.constant 81 : i32
    %ge3A_19 = arith.cmpi sge, %arg0, %ge3A_18 : i32
    %convert_element_type3A_20 = arith.extui %ge3A_19 : i1 to i32
    %add3A_21 = arith.addi %add3A_17, %convert_element_type3A_20 : i32
    %ge3A_22 = arith.constant 91 : i32
    %ge3A_23 = arith.cmpi sge, %arg0, %ge3A_22 : i32
    %convert_element_type3A_24 = arith.extui %ge3A_23 : i1 to i32
    %add3A_25 = arith.addi %add3A_21, %convert_element_type3A_24 : i32
    %ge3A_26 = arith.constant 100 : i32
    %ge3A_27 = arith.cmpi sge, %arg0, %ge3A_26 : i32
    %convert_element_type3A_28 = arith.extui %ge3A_27 : i1 to i32
    %add3A_29 = arith.addi %add3A_25, %convert_element_type3A_28 : i32
    %ge3A_30 = arith.constant 108 : i32
    %ge3A_31 = arith.cmpi sge, %arg0, %ge3A_30 : i32
    %convert_element_type3A_32 = arith.extui %ge3A_31 : i1 to i32
    %add3A_33 = arith.addi %add3A_29, %convert_element_type3A_32 : i32
    %ge3A_34 = arith.constant 115 : i32
    %ge3A_35 = arith.cmpi sge, %arg0, %ge3A_34 : i32
    %convert_element_type3A_36 = arith.extui %ge3A_35 : i1 to i32
    %add3A_37 = arith.addi %add3A_33, %convert_element_type3A_36 : i32
    %ge3A_38 = arith.constant 121 : i32
    %ge3A_39 = arith.cmpi sge, %arg0, %ge3A_38 : i32
    %convert_element_type3A_40 = arith.extui %ge3A_39 : i1 to i32
    %add3A_41 = arith.addi %add3A_37, %convert_element_type3A_40 : i32
    %ge3A_42 = arith.constant 126 : i32
    %ge3A_43 = arith.cmpi sge, %arg0, %ge3A_42 : i32
    %convert_element_type3A_44 = arith.extui %ge3A_43 : i1 to i32
    %add3A_45 = arith.addi %add3A_41, %convert_element_type3A_44 : i32
    %ge3A_46 = arith.constant 130 : i32
    %ge3A_47 = arith.cmpi sge, %arg0, %ge3A_46 : i32
    %convert_element_type3A_48 = arith.extui %ge3A_47 : i1 to i32
    %add3A_49 = arith.addi %add3A_45, %convert_element_type3A_48 : i32
    %ge3A_50 = arith.constant 133 : i32
    %ge3A_51 = arith.cmpi sge, %arg0, %ge3A_50 : i32
    %convert_element_type3A_52 = arith.extui %ge3A_51 : i1 to i32
    %add3A_53 = arith.addi %add3A_49, %convert_element_type3A_52 : i32
    %ge3A_54 = arith.constant 135 : i32
    %ge3A_55 = arith.cmpi sge, %arg0, %ge3A_54 : i32
    %convert_element_type3A_56 = arith.extui %ge3A_55 : i1 to i32
    %add3A_57 = arith.addi %add3A_53, %convert_element_type3A_56 : i32
    %sub3A = arith.constant 33 : i32
    %sub3A_58 = arith.subi %sub3A, %add3A_57 : i32
    %mul3A = arith.muli %add3A_57, %sub3A_58 : i32
    %jit3A = arith.constant 2 : i32
    %div3A = arith.divsi %mul3A, %jit3A : i32
    %sign3A = arith.constant 0 : i32
    %sign3A_59 = arith.cmpi sgt, %mul3A, %sign3A : i32
    %sign3A_60 = arith.extui %sign3A_59 : i1 to i32
    %sign3A_61 = arith.constant 0 : i32
    %sign3A_62 = arith.cmpi slt, %mul3A, %sign3A_61 : i32
    %sign3A_63 = arith.extui %sign3A_62 : i1 to i32
    %sign3A_64 = arith.subi %sign3A_60, %sign3A_63 : i32
    %sign3A_65 = arith.constant 0 : i32
    %sign3A_66 = arith.cmpi sgt, %jit3A, %sign3A_65 : i32
    %sign3A_67 = arith.extui %sign3A_66 : i1 to i32
    %sign3A_68 = arith.constant 0 : i32
    %sign3A_69 = arith.cmpi slt, %jit3A, %sign3A_68 : i32
    %sign3A_70 = arith.extui %sign3A_69 : i1 to i32
    %sign3A_71 = arith.subi %sign3A_67, %sign3A_70 : i32
    %ne3A = arith.cmpi ne, %sign3A_64, %sign3A_71 : i32
    %rem3A = arith.remsi %mul3A, %jit3A : i32
    %ne3A_72 = arith.constant 0 : i32
    %ne3A_73 = arith.cmpi ne, %rem3A, %ne3A_72 : i32
    %and3A = arith.andi %ne3A, %ne3A_73 : i1
    %sub3A_74 = arith.constant 1 : i32
    %sub3A_75 = arith.subi %div3A, %sub3A_74 : i32
    %select_n3A = arith.select %and3A, %sub3A_75, %div3A : i32
    %sub3A_76 = arith.subi %arg0, %select_n3A : i32
    %add3A_77 = arith.addi %sub3A_76, %add3A_57 : i32
    %eq3A = arith.cmpi eq, %add3A_57, %add3A_77 : i32
    %get3A = arith.constant 0 : index
    %get3A_78 = arith.constant 0 : index
    %get3A_79 = arith.constant 0 : index
    %get3A_80 = vector.load %arg1[%get3A, %get3A_78, %get3A_79] : memref<1x1x1024xi32, #tpu.memory_space<vmem>>, vector<1x1x1024xi32>
    %get3A_81 = vector.shape_cast %get3A_80 : vector<1x1x1024xi32> to vector<1x1024xi32>
    %get3A_82 = arith.constant 0 : index
    %get3A_83 = arith.constant 0 : index
    %get3A_84 = arith.constant 0 : index
    %get3A_85 = vector.load %arg2[%get3A_82, %get3A_83, %get3A_84] : memref<1x1x1024xf32, #tpu.memory_space<vmem>>, vector<1x1x1024xf32>
    %get3A_86 = vector.shape_cast %get3A_85 : vector<1x1x1024xf32> to vector<1x1024xf32>
    %get3A_87 = arith.constant 0 : index
    %get3A_88 = arith.constant 0 : index
    %get3A_89 = arith.constant 0 : index
    %get3A_90 = arith.constant 0 : index
    %get3A_91 = vector.load %arg3[%get3A_87, %get3A_88, %get3A_89, %get3A_90] : memref<1x1x1024x1xi32, #tpu.memory_space<vmem>>, vector<1x1x1024x1xi32>
    %get3A_92 = vector.shape_cast %get3A_91 : vector<1x1x1024x1xi32> to vector<1024x1xi32>
    %get3A_93 = arith.constant 0 : index
    %get3A_94 = arith.constant 0 : index
    %get3A_95 = arith.constant 0 : index
    %get3A_96 = arith.constant 0 : index
    %get3A_97 = vector.load %arg4[%get3A_93, %get3A_94, %get3A_95, %get3A_96] : memref<1x1x1024x1xf32, #tpu.memory_space<vmem>>, vector<1x1x1024x1xf32>
    %get3A_98 = vector.shape_cast %get3A_97 : vector<1x1x1024x1xf32> to vector<1024x1xf32>
    %eq3A_99 = vector.broadcast %get3A_92 : vector<1024x1xi32> to vector<1024x1024xi32>
    %eq3A_100 = vector.broadcast %get3A_81 : vector<1x1024xi32> to vector<1024x1024xi32>
    %eq3A_101 = arith.cmpi eq, %eq3A_99, %eq3A_100 : vector<1024x1024xi32>
    %lt3A = vector.broadcast %get3A_98 : vector<1024x1xf32> to vector<1024x1024xf32>
    %lt3A_102 = vector.broadcast %get3A_86 : vector<1x1024xf32> to vector<1024x1024xf32>
    %lt3A_103 = arith.cmpf olt, %lt3A, %lt3A_102 : vector<1024x1024xf32>
    %jit3A_104 = arith.constant 1.000000e+00 : f32
    %jit3A_105 = arith.constant 0.000000e+00 : f32
    %broadcast_in_dim3A = vector.broadcast %jit3A_104 : f32 to vector<1024x1024xf32>
    %broadcast_in_dim3A_106 = vector.broadcast %jit3A_105 : f32 to vector<1024x1024xf32>
    %select_n3A_107 = arith.select %eq3A_101, %broadcast_in_dim3A, %broadcast_in_dim3A_106 : vector<1024x1024xi1>, vector<1024x1024xf32>
    %and3A_108 = arith.andi %eq3A_101, %lt3A_103 : vector<1024x1024xi1>
    %jit3A_109 = arith.constant 1.000000e+00 : f32
    %jit3A_110 = arith.constant 0.000000e+00 : f32
    %broadcast_in_dim3A_111 = vector.broadcast %jit3A_109 : f32 to vector<1024x1024xf32>
    %broadcast_in_dim3A_112 = vector.broadcast %jit3A_110 : f32 to vector<1024x1024xf32>
    %select_n3A_113 = arith.select %and3A_108, %broadcast_in_dim3A_111, %broadcast_in_dim3A_112 : vector<1024x1024xi1>, vector<1024x1024xf32>
    %broadcast_in_dim3A_114 = arith.constant 1.000000e+00 : f32
    %broadcast_in_dim3A_115 = vector.broadcast %broadcast_in_dim3A_114 : f32 to vector<8x1024xf32>
    %broadcast_in_dim3A_116 = arith.constant 1.000000e+00 : f32
    %broadcast_in_dim3A_117 = vector.broadcast %broadcast_in_dim3A_116 : f32 to vector<1024x8xf32>
    %eq3A_118 = arith.constant 0 : i32
    %eq3A_119 = arith.cmpi eq, %arg0, %eq3A_118 : i32
    %convert_element_type3A_120 = arith.extui %eq3A_119 : i1 to i32
    %cond3A = arith.constant 0 : i32
    %cond3A_121 = arith.cmpi ne, %convert_element_type3A_120, %cond3A : i32
    scf.if %cond3A_121 {
      %broadcast_in_dim3A_129 = arith.constant 0 : i32
      %broadcast_in_dim3A_130 = vector.broadcast %broadcast_in_dim3A_129 : i32 to vector<16x1024x1xi32>
      %swap3A = arith.constant 0 : index
      %swap3A_131 = arith.constant 0 : index
      %swap3A_132 = arith.constant 0 : index
      %swap3A_133 = vector.load %arg7[%swap3A, %swap3A_131, %swap3A_132] : memref<16x1024x1xi32, #tpu.memory_space<vmem>>, vector<16x1024x1xi32>
      tpu.vector_store %arg7[%swap3A, %swap3A_131, %swap3A_132], %broadcast_in_dim3A_130 {strides = array<i32>} : memref<16x1024x1xi32, #tpu.memory_space<vmem>>, vector<16x1024x1xi32>,
    } else {
    }
    %convert_element_type3A_122 = arith.extui %eq3A : i1 to i32
    %cond3A_123 = arith.constant 0 : i32
    %cond3A_124 = arith.cmpi ne, %convert_element_type3A_122, %cond3A_123 : i32
    scf.if %cond3A_124 {
      %iota3A = tpu.iota {dimensions = array<i32: 1>} : vector<1024x1024xi32>
      %iota3A_129 = tpu.iota {dimensions = array<i32: 0>} : vector<1024x1024xi32>
      %eq3A_130 = vector.broadcast %get3A_98 : vector<1024x1xf32> to vector<1024x1024xf32>
      %eq3A_131 = vector.broadcast %get3A_86 : vector<1x1024xf32> to vector<1024x1024xf32>
      %eq3A_132 = arith.cmpf oeq, %eq3A_130, %eq3A_131 : vector<1024x1024xf32>
      %lt3A_133 = arith.cmpi slt, %iota3A_129, %iota3A : vector<1024x1024xi32>
      %and3A_134 = arith.andi %eq3A_132, %lt3A_133 : vector<1024x1024xi1>
      %or3A = arith.ori %lt3A_103, %and3A_134 : vector<1024x1024xi1>
      %and3A_135 = arith.andi %eq3A_101, %or3A : vector<1024x1024xi1>
      %jit3A_136 = arith.constant 1.000000e+00 : f32
      %jit3A_137 = arith.constant 0.000000e+00 : f32
      %broadcast_in_dim3A_138 = vector.broadcast %jit3A_136 : f32 to vector<1024x1024xf32>
      %broadcast_in_dim3A_139 = vector.broadcast %jit3A_137 : f32 to vector<1024x1024xf32>
      %select_n3A_140 = arith.select %and3A_135, %broadcast_in_dim3A_138, %broadcast_in_dim3A_139 : vector<1024x1024xi1>, vector<1024x1024xf32>
      %dot_general3A = arith.constant dense<0.000000e+00> : vector<8x1024xf32>
      %dot_general3A_141 = tpu.matmul %broadcast_in_dim3A_115, %select_n3A_140, %dot_general3A {dimension_numbers = #tpu.dot_dimension_numbers<[1], [0], [0], [1], [0, 0, 1, 1], [], []>, transpose_lhs_hint = false} : vector<8x1024xf32>, vector<1024x1024xf32>, vector<8x1024xf32> -> vector<8x1024xf32>
      %slice3A = vector.extract_strided_slice %dot_general3A_141 {offsets = [0, 0], sizes = [1, 1024], strides = [1, 1]} : vector<8x1024xf32> to vector<1x1024xf32>
      %squeeze3A = vector.shape_cast %slice3A : vector<1x1024xf32> to vector<1024xf32>
      %convert_element_type3A_142 = arith.fptosi %squeeze3A : vector<1024xf32> to vector<1024xi32>
      %swap3A = arith.constant 0 : index
      %swap3A_143 = arith.constant 0 : index
      %swap3A_144 = arith.constant 0 : index
      %swap3A_145 = vector.load %arg5[%swap3A, %swap3A_143, %swap3A_144] : memref<1x1x1024xi32, #tpu.memory_space<vmem>>, vector<1x1x1024xi32>
      %swap3A_146 = vector.shape_cast %swap3A_145 : vector<1x1x1024xi32> to vector<1024xi32>
      %swap3A_147 = vector.shape_cast %convert_element_type3A_142 : vector<1024xi32> to vector<1x1x1024xi32>
      tpu.vector_store %arg5[%swap3A, %swap3A_143, %swap3A_144], %swap3A_147 {strides = array<i32>} : memref<1x1x1024xi32, #tpu.memory_space<vmem>>, vector<1x1x1024xi32>,
      %get3A_148 = arith.index_cast %add3A_57 : i32 to index
      %get3A_149 = arith.constant 0 : index
      %get3A_150 = arith.constant 0 : index
      %get3A_151 = vector.load %arg7[%get3A_148, %get3A_149, %get3A_150] : memref<16x1024x1xi32, #tpu.memory_space<vmem>>, vector<1x1024x1xi32>
      %get3A_152 = vector.shape_cast %get3A_151 : vector<1x1024x1xi32> to vector<1024x1xi32>
      %swap3A_153 = arith.constant 0 : index
      %swap3A_154 = arith.constant 0 : index
      %swap3A_155 = arith.constant 0 : index
      %swap3A_156 = vector.load %arg6[%swap3A_153, %swap3A_154, %swap3A_155] : memref<1x1024x1xi32, #tpu.memory_space<vmem>>, vector<1x1024x1xi32>
      %swap3A_157 = vector.shape_cast %swap3A_156 : vector<1x1024x1xi32> to vector<1024x1xi32>
      %swap3A_158 = vector.shape_cast %get3A_152 : vector<1024x1xi32> to vector<1x1024x1xi32>
      tpu.vector_store %arg6[%swap3A_153, %swap3A_154, %swap3A_155], %swap3A_158 {strides = array<i32>} : memref<1x1024x1xi32, #tpu.memory_space<vmem>>, vector<1x1024x1xi32>,
    } else {
    }
    %not3A = arith.constant true
    %not3A_125 = arith.xori %eq3A, %not3A : i1
    %convert_element_type3A_126 = arith.extui %not3A_125 : i1 to i32
    %cond3A_127 = arith.constant 0 : i32
    %cond3A_128 = arith.cmpi ne, %convert_element_type3A_126, %cond3A_127 : i32
    scf.if %cond3A_128 {
      %dot_general3A = arith.constant dense<0.000000e+00> : vector<8x1024xf32>
      %dot_general3A_129 = tpu.matmul %broadcast_in_dim3A_115, %select_n3A_113, %dot_general3A {dimension_numbers = #tpu.dot_dimension_numbers<[1], [0], [0], [1], [0, 0, 1, 1], [], []>, transpose_lhs_hint = false} : vector<8x1024xf32>, vector<1024x1024xf32>, vector<8x1024xf32> -> vector<8x1024xf32>
      %get3A_130 = arith.constant 0 : index
      %get3A_131 = arith.constant 0 : index
      %get3A_132 = arith.constant 0 : index
      %get3A_133 = vector.load %arg5[%get3A_130, %get3A_131, %get3A_132] : memref<1x1x1024xi32, #tpu.memory_space<vmem>>, vector<1x1x1024xi32>
      %get3A_134 = vector.shape_cast %get3A_133 : vector<1x1x1024xi32> to vector<1024xi32>
      %slice3A = vector.extract_strided_slice %dot_general3A_129 {offsets = [0, 0], sizes = [1, 1024], strides = [1, 1]} : vector<8x1024xf32> to vector<1x1024xf32>
      %squeeze3A = vector.shape_cast %slice3A : vector<1x1024xf32> to vector<1024xf32>
      %convert_element_type3A_135 = arith.fptosi %squeeze3A : vector<1024xf32> to vector<1024xi32>
      %add3A_136 = arith.addi %get3A_134, %convert_element_type3A_135 : vector<1024xi32>
      %swap3A = arith.constant 0 : index
      %swap3A_137 = arith.constant 0 : index
      %swap3A_138 = arith.constant 0 : index
      %swap3A_139 = vector.load %arg5[%swap3A, %swap3A_137, %swap3A_138] : memref<1x1x1024xi32, #tpu.memory_space<vmem>>, vector<1x1x1024xi32>
      %swap3A_140 = vector.shape_cast %swap3A_139 : vector<1x1x1024xi32> to vector<1024xi32>
      %swap3A_141 = vector.shape_cast %add3A_136 : vector<1024xi32> to vector<1x1x1024xi32>
      tpu.vector_store %arg5[%swap3A, %swap3A_137, %swap3A_138], %swap3A_141 {strides = array<i32>} : memref<1x1x1024xi32, #tpu.memory_space<vmem>>, vector<1x1x1024xi32>,
      %dot_general3A_142 = arith.constant dense<0.000000e+00> : vector<1024x8xf32>
      %dot_general3A_143 = tpu.matmul %select_n3A_107, %broadcast_in_dim3A_117, %dot_general3A_142 {dimension_numbers = #tpu.dot_dimension_numbers<[1], [0], [0], [1], [0, 0, 1, 1], [], []>, transpose_lhs_hint = false} : vector<1024x1024xf32>, vector<1024x8xf32>, vector<1024x8xf32> -> vector<1024x8xf32>
      %dot_general3A_144 = arith.constant dense<0.000000e+00> : vector<1024x8xf32>
      %dot_general3A_145 = tpu.matmul %select_n3A_113, %broadcast_in_dim3A_117, %dot_general3A_144 {dimension_numbers = #tpu.dot_dimension_numbers<[1], [0], [0], [1], [0, 0, 1, 1], [], []>, transpose_lhs_hint = false} : vector<1024x1024xf32>, vector<1024x8xf32>, vector<1024x8xf32> -> vector<1024x8xf32>
      %get3A_146 = arith.index_cast %add3A_77 : i32 to index
      %get3A_147 = arith.constant 0 : index
      %get3A_148 = arith.constant 0 : index
      %get3A_149 = vector.load %arg7[%get3A_146, %get3A_147, %get3A_148] : memref<16x1024x1xi32, #tpu.memory_space<vmem>>, vector<1x1024x1xi32>
      %get3A_150 = vector.shape_cast %get3A_149 : vector<1x1024x1xi32> to vector<1024x1xi32>
      %slice3A_151 = vector.extract_strided_slice %dot_general3A_143 {offsets = [0, 0], sizes = [1024, 1], strides = [1, 1]} : vector<1024x8xf32> to vector<1024x1xf32>
      %slice3A_152 = vector.extract_strided_slice %dot_general3A_145 {offsets = [0, 0], sizes = [1024, 1], strides = [1, 1]} : vector<1024x8xf32> to vector<1024x1xf32>
      %sub3A_153 = arith.subf %slice3A_151, %slice3A_152 : vector<1024x1xf32>
      %convert_element_type3A_154 = arith.fptosi %sub3A_153 : vector<1024x1xf32> to vector<1024x1xi32>
      %add3A_155 = arith.addi %get3A_150, %convert_element_type3A_154 : vector<1024x1xi32>
      %swap3A_156 = arith.index_cast %add3A_77 : i32 to index
      %swap3A_157 = arith.constant 0 : index
      %swap3A_158 = arith.constant 0 : index
      %swap3A_159 = vector.load %arg7[%swap3A_156, %swap3A_157, %swap3A_158] : memref<16x1024x1xi32, #tpu.memory_space<vmem>>, vector<1x1024x1xi32>
      %swap3A_160 = vector.shape_cast %swap3A_159 : vector<1x1024x1xi32> to vector<1024x1xi32>
      %swap3A_161 = vector.shape_cast %add3A_155 : vector<1024x1xi32> to vector<1x1024x1xi32>
      tpu.vector_store %arg7[%swap3A_156, %swap3A_157, %swap3A_158], %swap3A_161 {strides = array<i32>} : memref<16x1024x1xi32, #tpu.memory_space<vmem>>, vector<1x1024x1xi32>,
    } else {
    }
    return
  }
  func.func @transform_0(%arg0: i32) -> (i32, i32, i32) {
    %ge3A = arith.constant 16 : i32
    %ge3A_0 = arith.cmpi sge, %arg0, %ge3A : i32
    %convert_element_type3A = arith.extui %ge3A_0 : i1 to i32
    %add3A = arith.constant 0 : i32
    %add3A_1 = arith.addi %add3A, %convert_element_type3A : i32
    %ge3A_2 = arith.constant 31 : i32
    %ge3A_3 = arith.cmpi sge, %arg0, %ge3A_2 : i32
    %convert_element_type3A_4 = arith.extui %ge3A_3 : i1 to i32
    %add3A_5 = arith.addi %add3A_1, %convert_element_type3A_4 : i32
    %ge3A_6 = arith.constant 45 : i32
    %ge3A_7 = arith.cmpi sge, %arg0, %ge3A_6 : i32
    %convert_element_type3A_8 = arith.extui %ge3A_7 : i1 to i32
    %add3A_9 = arith.addi %add3A_5, %convert_element_type3A_8 : i32
    %ge3A_10 = arith.constant 58 : i32
    %ge3A_11 = arith.cmpi sge, %arg0, %ge3A_10 : i32
    %convert_element_type3A_12 = arith.extui %ge3A_11 : i1 to i32
    %add3A_13 = arith.addi %add3A_9, %convert_element_type3A_12 : i32
    %ge3A_14 = arith.constant 70 : i32
    %ge3A_15 = arith.cmpi sge, %arg0, %ge3A_14 : i32
    %convert_element_type3A_16 = arith.extui %ge3A_15 : i1 to i32
    %add3A_17 = arith.addi %add3A_13, %convert_element_type3A_16 : i32
    %ge3A_18 = arith.constant 81 : i32
    %ge3A_19 = arith.cmpi sge, %arg0, %ge3A_18 : i32
    %convert_element_type3A_20 = arith.extui %ge3A_19 : i1 to i32
    %add3A_21 = arith.addi %add3A_17, %convert_element_type3A_20 : i32
    %ge3A_22 = arith.constant 91 : i32
    %ge3A_23 = arith.cmpi sge, %arg0, %ge3A_22 : i32
    %convert_element_type3A_24 = arith.extui %ge3A_23 : i1 to i32
    %add3A_25 = arith.addi %add3A_21, %convert_element_type3A_24 : i32
    %ge3A_26 = arith.constant 100 : i32
    %ge3A_27 = arith.cmpi sge, %arg0, %ge3A_26 : i32
    %convert_element_type3A_28 = arith.extui %ge3A_27 : i1 to i32
    %add3A_29 = arith.addi %add3A_25, %convert_element_type3A_28 : i32
    %ge3A_30 = arith.constant 108 : i32
    %ge3A_31 = arith.cmpi sge, %arg0, %ge3A_30 : i32
    %convert_element_type3A_32 = arith.extui %ge3A_31 : i1 to i32
    %add3A_33 = arith.addi %add3A_29, %convert_element_type3A_32 : i32
    %ge3A_34 = arith.constant 115 : i32
    %ge3A_35 = arith.cmpi sge, %arg0, %ge3A_34 : i32
    %convert_element_type3A_36 = arith.extui %ge3A_35 : i1 to i32
    %add3A_37 = arith.addi %add3A_33, %convert_element_type3A_36 : i32
    %ge3A_38 = arith.constant 121 : i32
    %ge3A_39 = arith.cmpi sge, %arg0, %ge3A_38 : i32
    %convert_element_type3A_40 = arith.extui %ge3A_39 : i1 to i32
    %add3A_41 = arith.addi %add3A_37, %convert_element_type3A_40 : i32
    %ge3A_42 = arith.constant 126 : i32
    %ge3A_43 = arith.cmpi sge, %arg0, %ge3A_42 : i32
    %convert_element_type3A_44 = arith.extui %ge3A_43 : i1 to i32
    %add3A_45 = arith.addi %add3A_41, %convert_element_type3A_44 : i32
    %ge3A_46 = arith.constant 130 : i32
    %ge3A_47 = arith.cmpi sge, %arg0, %ge3A_46 : i32
    %convert_element_type3A_48 = arith.extui %ge3A_47 : i1 to i32
    %add3A_49 = arith.addi %add3A_45, %convert_element_type3A_48 : i32
    %ge3A_50 = arith.constant 133 : i32
    %ge3A_51 = arith.cmpi sge, %arg0, %ge3A_50 : i32
    %convert_element_type3A_52 = arith.extui %ge3A_51 : i1 to i32
    %add3A_53 = arith.addi %add3A_49, %convert_element_type3A_52 : i32
    %ge3A_54 = arith.constant 135 : i32
    %ge3A_55 = arith.cmpi sge, %arg0, %ge3A_54 : i32
    %convert_element_type3A_56 = arith.extui %ge3A_55 : i1 to i32
    %add3A_57 = arith.addi %add3A_53, %convert_element_type3A_56 : i32
    %sub3A = arith.constant 33 : i32
    %sub3A_58 = arith.subi %sub3A, %add3A_57 : i32
    %mul3A = arith.muli %add3A_57, %sub3A_58 : i32
    %jit3A = arith.constant 2 : i32
    %div3A = arith.divsi %mul3A, %jit3A : i32
    %sign3A = arith.constant 0 : i32
    %sign3A_59 = arith.cmpi sgt, %mul3A, %sign3A : i32
    %sign3A_60 = arith.extui %sign3A_59 : i1 to i32
    %sign3A_61 = arith.constant 0 : i32
    %sign3A_62 = arith.cmpi slt, %mul3A, %sign3A_61 : i32
    %sign3A_63 = arith.extui %sign3A_62 : i1 to i32
    %sign3A_64 = arith.subi %sign3A_60, %sign3A_63 : i32
    %sign3A_65 = arith.constant 0 : i32
    %sign3A_66 = arith.cmpi sgt, %jit3A, %sign3A_65 : i32
    %sign3A_67 = arith.extui %sign3A_66 : i1 to i32
    %sign3A_68 = arith.constant 0 : i32
    %sign3A_69 = arith.cmpi slt, %jit3A, %sign3A_68 : i32
    %sign3A_70 = arith.extui %sign3A_69 : i1 to i32
    %sign3A_71 = arith.subi %sign3A_67, %sign3A_70 : i32
    %ne3A = arith.cmpi ne, %sign3A_64, %sign3A_71 : i32
    %rem3A = arith.remsi %mul3A, %jit3A : i32
    %ne3A_72 = arith.constant 0 : i32
    %ne3A_73 = arith.cmpi ne, %rem3A, %ne3A_72 : i32
    %and3A = arith.andi %ne3A, %ne3A_73 : i1
    %sub3A_74 = arith.constant 1 : i32
    %sub3A_75 = arith.subi %div3A, %sub3A_74 : i32
    %select_n3A = arith.select %and3A, %sub3A_75, %div3A : i32
    %sub3A_76 = arith.subi %arg0, %select_n3A : i32
    %add3A_77 = arith.addi %sub3A_76, %add3A_57 : i32
    %c0_i32 = arith.constant 0 : i32
    %c0_i32_78 = arith.constant 0 : i32
    %c0_i32_79 = arith.constant 0 : i32
    return %add3A_57, %c0_i32, %c0_i32_78 : i32, i32, i32
  }
  func.func @transform_1(%arg0: i32) -> (i32, i32, i32) {
    %ge3A = arith.constant 16 : i32
    %ge3A_0 = arith.cmpi sge, %arg0, %ge3A : i32
    %convert_element_type3A = arith.extui %ge3A_0 : i1 to i32
    %add3A = arith.constant 0 : i32
    %add3A_1 = arith.addi %add3A, %convert_element_type3A : i32
    %ge3A_2 = arith.constant 31 : i32
    %ge3A_3 = arith.cmpi sge, %arg0, %ge3A_2 : i32
    %convert_element_type3A_4 = arith.extui %ge3A_3 : i1 to i32
    %add3A_5 = arith.addi %add3A_1, %convert_element_type3A_4 : i32
    %ge3A_6 = arith.constant 45 : i32
    %ge3A_7 = arith.cmpi sge, %arg0, %ge3A_6 : i32
    %convert_element_type3A_8 = arith.extui %ge3A_7 : i1 to i32
    %add3A_9 = arith.addi %add3A_5, %convert_element_type3A_8 : i32
    %ge3A_10 = arith.constant 58 : i32
    %ge3A_11 = arith.cmpi sge, %arg0, %ge3A_10 : i32
    %convert_element_type3A_12 = arith.extui %ge3A_11 : i1 to i32
    %add3A_13 = arith.addi %add3A_9, %convert_element_type3A_12 : i32
    %ge3A_14 = arith.constant 70 : i32
    %ge3A_15 = arith.cmpi sge, %arg0, %ge3A_14 : i32
    %convert_element_type3A_16 = arith.extui %ge3A_15 : i1 to i32
    %add3A_17 = arith.addi %add3A_13, %convert_element_type3A_16 : i32
    %ge3A_18 = arith.constant 81 : i32
    %ge3A_19 = arith.cmpi sge, %arg0, %ge3A_18 : i32
    %convert_element_type3A_20 = arith.extui %ge3A_19 : i1 to i32
    %add3A_21 = arith.addi %add3A_17, %convert_element_type3A_20 : i32
    %ge3A_22 = arith.constant 91 : i32
    %ge3A_23 = arith.cmpi sge, %arg0, %ge3A_22 : i32
    %convert_element_type3A_24 = arith.extui %ge3A_23 : i1 to i32
    %add3A_25 = arith.addi %add3A_21, %convert_element_type3A_24 : i32
    %ge3A_26 = arith.constant 100 : i32
    %ge3A_27 = arith.cmpi sge, %arg0, %ge3A_26 : i32
    %convert_element_type3A_28 = arith.extui %ge3A_27 : i1 to i32
    %add3A_29 = arith.addi %add3A_25, %convert_element_type3A_28 : i32
    %ge3A_30 = arith.constant 108 : i32
    %ge3A_31 = arith.cmpi sge, %arg0, %ge3A_30 : i32
    %convert_element_type3A_32 = arith.extui %ge3A_31 : i1 to i32
    %add3A_33 = arith.addi %add3A_29, %convert_element_type3A_32 : i32
    %ge3A_34 = arith.constant 115 : i32
    %ge3A_35 = arith.cmpi sge, %arg0, %ge3A_34 : i32
    %convert_element_type3A_36 = arith.extui %ge3A_35 : i1 to i32
    %add3A_37 = arith.addi %add3A_33, %convert_element_type3A_36 : i32
    %ge3A_38 = arith.constant 121 : i32
    %ge3A_39 = arith.cmpi sge, %arg0, %ge3A_38 : i32
    %convert_element_type3A_40 = arith.extui %ge3A_39 : i1 to i32
    %add3A_41 = arith.addi %add3A_37, %convert_element_type3A_40 : i32
    %ge3A_42 = arith.constant 126 : i32
    %ge3A_43 = arith.cmpi sge, %arg0, %ge3A_42 : i32
    %convert_element_type3A_44 = arith.extui %ge3A_43 : i1 to i32
    %add3A_45 = arith.addi %add3A_41, %convert_element_type3A_44 : i32
    %ge3A_46 = arith.constant 130 : i32
    %ge3A_47 = arith.cmpi sge, %arg0, %ge3A_46 : i32
    %convert_element_type3A_48 = arith.extui %ge3A_47 : i1 to i32
    %add3A_49 = arith.addi %add3A_45, %convert_element_type3A_48 : i32
    %ge3A_50 = arith.constant 133 : i32
    %ge3A_51 = arith.cmpi sge, %arg0, %ge3A_50 : i32
    %convert_element_type3A_52 = arith.extui %ge3A_51 : i1 to i32
    %add3A_53 = arith.addi %add3A_49, %convert_element_type3A_52 : i32
    %ge3A_54 = arith.constant 135 : i32
    %ge3A_55 = arith.cmpi sge, %arg0, %ge3A_54 : i32
    %convert_element_type3A_56 = arith.extui %ge3A_55 : i1 to i32
    %add3A_57 = arith.addi %add3A_53, %convert_element_type3A_56 : i32
    %sub3A = arith.constant 33 : i32
    %sub3A_58 = arith.subi %sub3A, %add3A_57 : i32
    %mul3A = arith.muli %add3A_57, %sub3A_58 : i32
    %jit3A = arith.constant 2 : i32
    %div3A = arith.divsi %mul3A, %jit3A : i32
    %sign3A = arith.constant 0 : i32
    %sign3A_59 = arith.cmpi sgt, %mul3A, %sign3A : i32
    %sign3A_60 = arith.extui %sign3A_59 : i1 to i32
    %sign3A_61 = arith.constant 0 : i32
    %sign3A_62 = arith.cmpi slt, %mul3A, %sign3A_61 : i32
    %sign3A_63 = arith.extui %sign3A_62 : i1 to i32
    %sign3A_64 = arith.subi %sign3A_60, %sign3A_63 : i32
    %sign3A_65 = arith.constant 0 : i32
    %sign3A_66 = arith.cmpi sgt, %jit3A, %sign3A_65 : i32
    %sign3A_67 = arith.extui %sign3A_66 : i1 to i32
    %sign3A_68 = arith.constant 0 : i32
    %sign3A_69 = arith.cmpi slt, %jit3A, %sign3A_68 : i32
    %sign3A_70 = arith.extui %sign3A_69 : i1 to i32
    %sign3A_71 = arith.subi %sign3A_67, %sign3A_70 : i32
    %ne3A = arith.cmpi ne, %sign3A_64, %sign3A_71 : i32
    %rem3A = arith.remsi %mul3A, %jit3A : i32
    %ne3A_72 = arith.constant 0 : i32
    %ne3A_73 = arith.cmpi ne, %rem3A, %ne3A_72 : i32
    %and3A = arith.andi %ne3A, %ne3A_73 : i1
    %sub3A_74 = arith.constant 1 : i32
    %sub3A_75 = arith.subi %div3A, %sub3A_74 : i32
    %select_n3A = arith.select %and3A, %sub3A_75, %div3A : i32
    %sub3A_76 = arith.subi %arg0, %select_n3A : i32
    %add3A_77 = arith.addi %sub3A_76, %add3A_57 : i32
    %c0_i32 = arith.constant 0 : i32
    %c0_i32_78 = arith.constant 0 : i32
    %c0_i32_79 = arith.constant 0 : i32
    return %add3A_57, %c0_i32, %c0_i32_78 : i32, i32, i32
  }
  func.func @transform_2(%arg0: i32) -> (i32, i32, i32, i32) {
    %ge3A = arith.constant 16 : i32
    %ge3A_0 = arith.cmpi sge, %arg0, %ge3A : i32
    %convert_element_type3A = arith.extui %ge3A_0 : i1 to i32
    %add3A = arith.constant 0 : i32
    %add3A_1 = arith.addi %add3A, %convert_element_type3A : i32
    %ge3A_2 = arith.constant 31 : i32
    %ge3A_3 = arith.cmpi sge, %arg0, %ge3A_2 : i32
    %convert_element_type3A_4 = arith.extui %ge3A_3 : i1 to i32
    %add3A_5 = arith.addi %add3A_1, %convert_element_type3A_4 : i32
    %ge3A_6 = arith.constant 45 : i32
    %ge3A_7 = arith.cmpi sge, %arg0, %ge3A_6 : i32
    %convert_element_type3A_8 = arith.extui %ge3A_7 : i1 to i32
    %add3A_9 = arith.addi %add3A_5, %convert_element_type3A_8 : i32
    %ge3A_10 = arith.constant 58 : i32
    %ge3A_11 = arith.cmpi sge, %arg0, %ge3A_10 : i32
    %convert_element_type3A_12 = arith.extui %ge3A_11 : i1 to i32
    %add3A_13 = arith.addi %add3A_9, %convert_element_type3A_12 : i32
    %ge3A_14 = arith.constant 70 : i32
    %ge3A_15 = arith.cmpi sge, %arg0, %ge3A_14 : i32
    %convert_element_type3A_16 = arith.extui %ge3A_15 : i1 to i32
    %add3A_17 = arith.addi %add3A_13, %convert_element_type3A_16 : i32
    %ge3A_18 = arith.constant 81 : i32
    %ge3A_19 = arith.cmpi sge, %arg0, %ge3A_18 : i32
    %convert_element_type3A_20 = arith.extui %ge3A_19 : i1 to i32
    %add3A_21 = arith.addi %add3A_17, %convert_element_type3A_20 : i32
    %ge3A_22 = arith.constant 91 : i32
    %ge3A_23 = arith.cmpi sge, %arg0, %ge3A_22 : i32
    %convert_element_type3A_24 = arith.extui %ge3A_23 : i1 to i32
    %add3A_25 = arith.addi %add3A_21, %convert_element_type3A_24 : i32
    %ge3A_26 = arith.constant 100 : i32
    %ge3A_27 = arith.cmpi sge, %arg0, %ge3A_26 : i32
    %convert_element_type3A_28 = arith.extui %ge3A_27 : i1 to i32
    %add3A_29 = arith.addi %add3A_25, %convert_element_type3A_28 : i32
    %ge3A_30 = arith.constant 108 : i32
    %ge3A_31 = arith.cmpi sge, %arg0, %ge3A_30 : i32
    %convert_element_type3A_32 = arith.extui %ge3A_31 : i1 to i32
    %add3A_33 = arith.addi %add3A_29, %convert_element_type3A_32 : i32
    %ge3A_34 = arith.constant 115 : i32
    %ge3A_35 = arith.cmpi sge, %arg0, %ge3A_34 : i32
    %convert_element_type3A_36 = arith.extui %ge3A_35 : i1 to i32
    %add3A_37 = arith.addi %add3A_33, %convert_element_type3A_36 : i32
    %ge3A_38 = arith.constant 121 : i32
    %ge3A_39 = arith.cmpi sge, %arg0, %ge3A_38 : i32
    %convert_element_type3A_40 = arith.extui %ge3A_39 : i1 to i32
    %add3A_41 = arith.addi %add3A_37, %convert_element_type3A_40 : i32
    %ge3A_42 = arith.constant 126 : i32
    %ge3A_43 = arith.cmpi sge, %arg0, %ge3A_42 : i32
    %convert_element_type3A_44 = arith.extui %ge3A_43 : i1 to i32
    %add3A_45 = arith.addi %add3A_41, %convert_element_type3A_44 : i32
    %ge3A_46 = arith.constant 130 : i32
    %ge3A_47 = arith.cmpi sge, %arg0, %ge3A_46 : i32
    %convert_element_type3A_48 = arith.extui %ge3A_47 : i1 to i32
    %add3A_49 = arith.addi %add3A_45, %convert_element_type3A_48 : i32
    %ge3A_50 = arith.constant 133 : i32
    %ge3A_51 = arith.cmpi sge, %arg0, %ge3A_50 : i32
    %convert_element_type3A_52 = arith.extui %ge3A_51 : i1 to i32
    %add3A_53 = arith.addi %add3A_49, %convert_element_type3A_52 : i32
    %ge3A_54 = arith.constant 135 : i32
    %ge3A_55 = arith.cmpi sge, %arg0, %ge3A_54 : i32
    %convert_element_type3A_56 = arith.extui %ge3A_55 : i1 to i32
    %add3A_57 = arith.addi %add3A_53, %convert_element_type3A_56 : i32
    %sub3A = arith.constant 33 : i32
    %sub3A_58 = arith.subi %sub3A, %add3A_57 : i32
    %mul3A = arith.muli %add3A_57, %sub3A_58 : i32
    %jit3A = arith.constant 2 : i32
    %div3A = arith.divsi %mul3A, %jit3A : i32
    %sign3A = arith.constant 0 : i32
    %sign3A_59 = arith.cmpi sgt, %mul3A, %sign3A : i32
    %sign3A_60 = arith.extui %sign3A_59 : i1 to i32
    %sign3A_61 = arith.constant 0 : i32
    %sign3A_62 = arith.cmpi slt, %mul3A, %sign3A_61 : i32
    %sign3A_63 = arith.extui %sign3A_62 : i1 to i32
    %sign3A_64 = arith.subi %sign3A_60, %sign3A_63 : i32
    %sign3A_65 = arith.constant 0 : i32
    %sign3A_66 = arith.cmpi sgt, %jit3A, %sign3A_65 : i32
    %sign3A_67 = arith.extui %sign3A_66 : i1 to i32
    %sign3A_68 = arith.constant 0 : i32
    %sign3A_69 = arith.cmpi slt, %jit3A, %sign3A_68 : i32
    %sign3A_70 = arith.extui %sign3A_69 : i1 to i32
    %sign3A_71 = arith.subi %sign3A_67, %sign3A_70 : i32
    %ne3A = arith.cmpi ne, %sign3A_64, %sign3A_71 : i32
    %rem3A = arith.remsi %mul3A, %jit3A : i32
    %ne3A_72 = arith.constant 0 : i32
    %ne3A_73 = arith.cmpi ne, %rem3A, %ne3A_72 : i32
    %and3A = arith.andi %ne3A, %ne3A_73 : i1
    %sub3A_74 = arith.constant 1 : i32
    %sub3A_75 = arith.subi %div3A, %sub3A_74 : i32
    %select_n3A = arith.select %and3A, %sub3A_75, %div3A : i32
    %sub3A_76 = arith.subi %arg0, %select_n3A : i32
    %add3A_77 = arith.addi %sub3A_76, %add3A_57 : i32
    %c0_i32 = arith.constant 0 : i32
    %c0_i32_78 = arith.constant 0 : i32
    %c0_i32_79 = arith.constant 0 : i32
    %c0_i32_80 = arith.constant 0 : i32
    return %add3A_77, %c0_i32, %c0_i32_78, %c0_i32_79 : i32, i32, i32, i32
  }
  func.func @transform_3(%arg0: i32) -> (i32, i32, i32, i32) {
    %ge3A = arith.constant 16 : i32
    %ge3A_0 = arith.cmpi sge, %arg0, %ge3A : i32
    %convert_element_type3A = arith.extui %ge3A_0 : i1 to i32
    %add3A = arith.constant 0 : i32
    %add3A_1 = arith.addi %add3A, %convert_element_type3A : i32
    %ge3A_2 = arith.constant 31 : i32
    %ge3A_3 = arith.cmpi sge, %arg0, %ge3A_2 : i32
    %convert_element_type3A_4 = arith.extui %ge3A_3 : i1 to i32
    %add3A_5 = arith.addi %add3A_1, %convert_element_type3A_4 : i32
    %ge3A_6 = arith.constant 45 : i32
    %ge3A_7 = arith.cmpi sge, %arg0, %ge3A_6 : i32
    %convert_element_type3A_8 = arith.extui %ge3A_7 : i1 to i32
    %add3A_9 = arith.addi %add3A_5, %convert_element_type3A_8 : i32
    %ge3A_10 = arith.constant 58 : i32
    %ge3A_11 = arith.cmpi sge, %arg0, %ge3A_10 : i32
    %convert_element_type3A_12 = arith.extui %ge3A_11 : i1 to i32
    %add3A_13 = arith.addi %add3A_9, %convert_element_type3A_12 : i32
    %ge3A_14 = arith.constant 70 : i32
    %ge3A_15 = arith.cmpi sge, %arg0, %ge3A_14 : i32
    %convert_element_type3A_16 = arith.extui %ge3A_15 : i1 to i32
    %add3A_17 = arith.addi %add3A_13, %convert_element_type3A_16 : i32
    %ge3A_18 = arith.constant 81 : i32
    %ge3A_19 = arith.cmpi sge, %arg0, %ge3A_18 : i32
    %convert_element_type3A_20 = arith.extui %ge3A_19 : i1 to i32
    %add3A_21 = arith.addi %add3A_17, %convert_element_type3A_20 : i32
    %ge3A_22 = arith.constant 91 : i32
    %ge3A_23 = arith.cmpi sge, %arg0, %ge3A_22 : i32
    %convert_element_type3A_24 = arith.extui %ge3A_23 : i1 to i32
    %add3A_25 = arith.addi %add3A_21, %convert_element_type3A_24 : i32
    %ge3A_26 = arith.constant 100 : i32
    %ge3A_27 = arith.cmpi sge, %arg0, %ge3A_26 : i32
    %convert_element_type3A_28 = arith.extui %ge3A_27 : i1 to i32
    %add3A_29 = arith.addi %add3A_25, %convert_element_type3A_28 : i32
    %ge3A_30 = arith.constant 108 : i32
    %ge3A_31 = arith.cmpi sge, %arg0, %ge3A_30 : i32
    %convert_element_type3A_32 = arith.extui %ge3A_31 : i1 to i32
    %add3A_33 = arith.addi %add3A_29, %convert_element_type3A_32 : i32
    %ge3A_34 = arith.constant 115 : i32
    %ge3A_35 = arith.cmpi sge, %arg0, %ge3A_34 : i32
    %convert_element_type3A_36 = arith.extui %ge3A_35 : i1 to i32
    %add3A_37 = arith.addi %add3A_33, %convert_element_type3A_36 : i32
    %ge3A_38 = arith.constant 121 : i32
    %ge3A_39 = arith.cmpi sge, %arg0, %ge3A_38 : i32
    %convert_element_type3A_40 = arith.extui %ge3A_39 : i1 to i32
    %add3A_41 = arith.addi %add3A_37, %convert_element_type3A_40 : i32
    %ge3A_42 = arith.constant 126 : i32
    %ge3A_43 = arith.cmpi sge, %arg0, %ge3A_42 : i32
    %convert_element_type3A_44 = arith.extui %ge3A_43 : i1 to i32
    %add3A_45 = arith.addi %add3A_41, %convert_element_type3A_44 : i32
    %ge3A_46 = arith.constant 130 : i32
    %ge3A_47 = arith.cmpi sge, %arg0, %ge3A_46 : i32
    %convert_element_type3A_48 = arith.extui %ge3A_47 : i1 to i32
    %add3A_49 = arith.addi %add3A_45, %convert_element_type3A_48 : i32
    %ge3A_50 = arith.constant 133 : i32
    %ge3A_51 = arith.cmpi sge, %arg0, %ge3A_50 : i32
    %convert_element_type3A_52 = arith.extui %ge3A_51 : i1 to i32
    %add3A_53 = arith.addi %add3A_49, %convert_element_type3A_52 : i32
    %ge3A_54 = arith.constant 135 : i32
    %ge3A_55 = arith.cmpi sge, %arg0, %ge3A_54 : i32
    %convert_element_type3A_56 = arith.extui %ge3A_55 : i1 to i32
    %add3A_57 = arith.addi %add3A_53, %convert_element_type3A_56 : i32
    %sub3A = arith.constant 33 : i32
    %sub3A_58 = arith.subi %sub3A, %add3A_57 : i32
    %mul3A = arith.muli %add3A_57, %sub3A_58 : i32
    %jit3A = arith.constant 2 : i32
    %div3A = arith.divsi %mul3A, %jit3A : i32
    %sign3A = arith.constant 0 : i32
    %sign3A_59 = arith.cmpi sgt, %mul3A, %sign3A : i32
    %sign3A_60 = arith.extui %sign3A_59 : i1 to i32
    %sign3A_61 = arith.constant 0 : i32
    %sign3A_62 = arith.cmpi slt, %mul3A, %sign3A_61 : i32
    %sign3A_63 = arith.extui %sign3A_62 : i1 to i32
    %sign3A_64 = arith.subi %sign3A_60, %sign3A_63 : i32
    %sign3A_65 = arith.constant 0 : i32
    %sign3A_66 = arith.cmpi sgt, %jit3A, %sign3A_65 : i32
    %sign3A_67 = arith.extui %sign3A_66 : i1 to i32
    %sign3A_68 = arith.constant 0 : i32
    %sign3A_69 = arith.cmpi slt, %jit3A, %sign3A_68 : i32
    %sign3A_70 = arith.extui %sign3A_69 : i1 to i32
    %sign3A_71 = arith.subi %sign3A_67, %sign3A_70 : i32
    %ne3A = arith.cmpi ne, %sign3A_64, %sign3A_71 : i32
    %rem3A = arith.remsi %mul3A, %jit3A : i32
    %ne3A_72 = arith.constant 0 : i32
    %ne3A_73 = arith.cmpi ne, %rem3A, %ne3A_72 : i32
    %and3A = arith.andi %ne3A, %ne3A_73 : i1
    %sub3A_74 = arith.constant 1 : i32
    %sub3A_75 = arith.subi %div3A, %sub3A_74 : i32
    %select_n3A = arith.select %and3A, %sub3A_75, %div3A : i32
    %sub3A_76 = arith.subi %arg0, %select_n3A : i32
    %add3A_77 = arith.addi %sub3A_76, %add3A_57 : i32
    %c0_i32 = arith.constant 0 : i32
    %c0_i32_78 = arith.constant 0 : i32
    %c0_i32_79 = arith.constant 0 : i32
    %c0_i32_80 = arith.constant 0 : i32
    return %add3A_77, %c0_i32, %c0_i32_78, %c0_i32_79 : i32, i32, i32, i32
  }
  func.func @transform_4(%arg0: i32) -> (i32, i32, i32) {
    %ge3A = arith.constant 16 : i32
    %ge3A_0 = arith.cmpi sge, %arg0, %ge3A : i32
    %convert_element_type3A = arith.extui %ge3A_0 : i1 to i32
    %add3A = arith.constant 0 : i32
    %add3A_1 = arith.addi %add3A, %convert_element_type3A : i32
    %ge3A_2 = arith.constant 31 : i32
    %ge3A_3 = arith.cmpi sge, %arg0, %ge3A_2 : i32
    %convert_element_type3A_4 = arith.extui %ge3A_3 : i1 to i32
    %add3A_5 = arith.addi %add3A_1, %convert_element_type3A_4 : i32
    %ge3A_6 = arith.constant 45 : i32
    %ge3A_7 = arith.cmpi sge, %arg0, %ge3A_6 : i32
    %convert_element_type3A_8 = arith.extui %ge3A_7 : i1 to i32
    %add3A_9 = arith.addi %add3A_5, %convert_element_type3A_8 : i32
    %ge3A_10 = arith.constant 58 : i32
    %ge3A_11 = arith.cmpi sge, %arg0, %ge3A_10 : i32
    %convert_element_type3A_12 = arith.extui %ge3A_11 : i1 to i32
    %add3A_13 = arith.addi %add3A_9, %convert_element_type3A_12 : i32
    %ge3A_14 = arith.constant 70 : i32
    %ge3A_15 = arith.cmpi sge, %arg0, %ge3A_14 : i32
    %convert_element_type3A_16 = arith.extui %ge3A_15 : i1 to i32
    %add3A_17 = arith.addi %add3A_13, %convert_element_type3A_16 : i32
    %ge3A_18 = arith.constant 81 : i32
    %ge3A_19 = arith.cmpi sge, %arg0, %ge3A_18 : i32
    %convert_element_type3A_20 = arith.extui %ge3A_19 : i1 to i32
    %add3A_21 = arith.addi %add3A_17, %convert_element_type3A_20 : i32
    %ge3A_22 = arith.constant 91 : i32
    %ge3A_23 = arith.cmpi sge, %arg0, %ge3A_22 : i32
    %convert_element_type3A_24 = arith.extui %ge3A_23 : i1 to i32
    %add3A_25 = arith.addi %add3A_21, %convert_element_type3A_24 : i32
    %ge3A_26 = arith.constant 100 : i32
    %ge3A_27 = arith.cmpi sge, %arg0, %ge3A_26 : i32
    %convert_element_type3A_28 = arith.extui %ge3A_27 : i1 to i32
    %add3A_29 = arith.addi %add3A_25, %convert_element_type3A_28 : i32
    %ge3A_30 = arith.constant 108 : i32
    %ge3A_31 = arith.cmpi sge, %arg0, %ge3A_30 : i32
    %convert_element_type3A_32 = arith.extui %ge3A_31 : i1 to i32
    %add3A_33 = arith.addi %add3A_29, %convert_element_type3A_32 : i32
    %ge3A_34 = arith.constant 115 : i32
    %ge3A_35 = arith.cmpi sge, %arg0, %ge3A_34 : i32
    %convert_element_type3A_36 = arith.extui %ge3A_35 : i1 to i32
    %add3A_37 = arith.addi %add3A_33, %convert_element_type3A_36 : i32
    %ge3A_38 = arith.constant 121 : i32
    %ge3A_39 = arith.cmpi sge, %arg0, %ge3A_38 : i32
    %convert_element_type3A_40 = arith.extui %ge3A_39 : i1 to i32
    %add3A_41 = arith.addi %add3A_37, %convert_element_type3A_40 : i32
    %ge3A_42 = arith.constant 126 : i32
    %ge3A_43 = arith.cmpi sge, %arg0, %ge3A_42 : i32
    %convert_element_type3A_44 = arith.extui %ge3A_43 : i1 to i32
    %add3A_45 = arith.addi %add3A_41, %convert_element_type3A_44 : i32
    %ge3A_46 = arith.constant 130 : i32
    %ge3A_47 = arith.cmpi sge, %arg0, %ge3A_46 : i32
    %convert_element_type3A_48 = arith.extui %ge3A_47 : i1 to i32
    %add3A_49 = arith.addi %add3A_45, %convert_element_type3A_48 : i32
    %ge3A_50 = arith.constant 133 : i32
    %ge3A_51 = arith.cmpi sge, %arg0, %ge3A_50 : i32
    %convert_element_type3A_52 = arith.extui %ge3A_51 : i1 to i32
    %add3A_53 = arith.addi %add3A_49, %convert_element_type3A_52 : i32
    %ge3A_54 = arith.constant 135 : i32
    %ge3A_55 = arith.cmpi sge, %arg0, %ge3A_54 : i32
    %convert_element_type3A_56 = arith.extui %ge3A_55 : i1 to i32
    %add3A_57 = arith.addi %add3A_53, %convert_element_type3A_56 : i32
    %sub3A = arith.constant 33 : i32
    %sub3A_58 = arith.subi %sub3A, %add3A_57 : i32
    %mul3A = arith.muli %add3A_57, %sub3A_58 : i32
    %jit3A = arith.constant 2 : i32
    %div3A = arith.divsi %mul3A, %jit3A : i32
    %sign3A = arith.constant 0 : i32
    %sign3A_59 = arith.cmpi sgt, %mul3A, %sign3A : i32
    %sign3A_60 = arith.extui %sign3A_59 : i1 to i32
    %sign3A_61 = arith.constant 0 : i32
    %sign3A_62 = arith.cmpi slt, %mul3A, %sign3A_61 : i32
    %sign3A_63 = arith.extui %sign3A_62 : i1 to i32
    %sign3A_64 = arith.subi %sign3A_60, %sign3A_63 : i32
    %sign3A_65 = arith.constant 0 : i32
    %sign3A_66 = arith.cmpi sgt, %jit3A, %sign3A_65 : i32
    %sign3A_67 = arith.extui %sign3A_66 : i1 to i32
    %sign3A_68 = arith.constant 0 : i32
    %sign3A_69 = arith.cmpi slt, %jit3A, %sign3A_68 : i32
    %sign3A_70 = arith.extui %sign3A_69 : i1 to i32
    %sign3A_71 = arith.subi %sign3A_67, %sign3A_70 : i32
    %ne3A = arith.cmpi ne, %sign3A_64, %sign3A_71 : i32
    %rem3A = arith.remsi %mul3A, %jit3A : i32
    %ne3A_72 = arith.constant 0 : i32
    %ne3A_73 = arith.cmpi ne, %rem3A, %ne3A_72 : i32
    %and3A = arith.andi %ne3A, %ne3A_73 : i1
    %sub3A_74 = arith.constant 1 : i32
    %sub3A_75 = arith.subi %div3A, %sub3A_74 : i32
    %select_n3A = arith.select %and3A, %sub3A_75, %div3A : i32
    %sub3A_76 = arith.subi %arg0, %select_n3A : i32
    %add3A_77 = arith.addi %sub3A_76, %add3A_57 : i32
    %c0_i32 = arith.constant 0 : i32
    %c0_i32_78 = arith.constant 0 : i32
    %c0_i32_79 = arith.constant 0 : i32
    return %add3A_57, %c0_i32, %c0_i32_78 : i32, i32, i32
  }
  func.func @transform_5(%arg0: i32) -> (i32, i32, i32) {
    %ge3A = arith.constant 16 : i32
    %ge3A_0 = arith.cmpi sge, %arg0, %ge3A : i32
    %convert_element_type3A = arith.extui %ge3A_0 : i1 to i32
    %add3A = arith.constant 0 : i32
    %add3A_1 = arith.addi %add3A, %convert_element_type3A : i32
    %ge3A_2 = arith.constant 31 : i32
    %ge3A_3 = arith.cmpi sge, %arg0, %ge3A_2 : i32
    %convert_element_type3A_4 = arith.extui %ge3A_3 : i1 to i32
    %add3A_5 = arith.addi %add3A_1, %convert_element_type3A_4 : i32
    %ge3A_6 = arith.constant 45 : i32
    %ge3A_7 = arith.cmpi sge, %arg0, %ge3A_6 : i32
    %convert_element_type3A_8 = arith.extui %ge3A_7 : i1 to i32
    %add3A_9 = arith.addi %add3A_5, %convert_element_type3A_8 : i32
    %ge3A_10 = arith.constant 58 : i32
    %ge3A_11 = arith.cmpi sge, %arg0, %ge3A_10 : i32
    %convert_element_type3A_12 = arith.extui %ge3A_11 : i1 to i32
    %add3A_13 = arith.addi %add3A_9, %convert_element_type3A_12 : i32
    %ge3A_14 = arith.constant 70 : i32
    %ge3A_15 = arith.cmpi sge, %arg0, %ge3A_14 : i32
    %convert_element_type3A_16 = arith.extui %ge3A_15 : i1 to i32
    %add3A_17 = arith.addi %add3A_13, %convert_element_type3A_16 : i32
    %ge3A_18 = arith.constant 81 : i32
    %ge3A_19 = arith.cmpi sge, %arg0, %ge3A_18 : i32
    %convert_element_type3A_20 = arith.extui %ge3A_19 : i1 to i32
    %add3A_21 = arith.addi %add3A_17, %convert_element_type3A_20 : i32
    %ge3A_22 = arith.constant 91 : i32
    %ge3A_23 = arith.cmpi sge, %arg0, %ge3A_22 : i32
    %convert_element_type3A_24 = arith.extui %ge3A_23 : i1 to i32
    %add3A_25 = arith.addi %add3A_21, %convert_element_type3A_24 : i32
    %ge3A_26 = arith.constant 100 : i32
    %ge3A_27 = arith.cmpi sge, %arg0, %ge3A_26 : i32
    %convert_element_type3A_28 = arith.extui %ge3A_27 : i1 to i32
    %add3A_29 = arith.addi %add3A_25, %convert_element_type3A_28 : i32
    %ge3A_30 = arith.constant 108 : i32
    %ge3A_31 = arith.cmpi sge, %arg0, %ge3A_30 : i32
    %convert_element_type3A_32 = arith.extui %ge3A_31 : i1 to i32
    %add3A_33 = arith.addi %add3A_29, %convert_element_type3A_32 : i32
    %ge3A_34 = arith.constant 115 : i32
    %ge3A_35 = arith.cmpi sge, %arg0, %ge3A_34 : i32
    %convert_element_type3A_36 = arith.extui %ge3A_35 : i1 to i32
    %add3A_37 = arith.addi %add3A_33, %convert_element_type3A_36 : i32
    %ge3A_38 = arith.constant 121 : i32
    %ge3A_39 = arith.cmpi sge, %arg0, %ge3A_38 : i32
    %convert_element_type3A_40 = arith.extui %ge3A_39 : i1 to i32
    %add3A_41 = arith.addi %add3A_37, %convert_element_type3A_40 : i32
    %ge3A_42 = arith.constant 126 : i32
    %ge3A_43 = arith.cmpi sge, %arg0, %ge3A_42 : i32
    %convert_element_type3A_44 = arith.extui %ge3A_43 : i1 to i32
    %add3A_45 = arith.addi %add3A_41, %convert_element_type3A_44 : i32
    %ge3A_46 = arith.constant 130 : i32
    %ge3A_47 = arith.cmpi sge, %arg0, %ge3A_46 : i32
    %convert_element_type3A_48 = arith.extui %ge3A_47 : i1 to i32
    %add3A_49 = arith.addi %add3A_45, %convert_element_type3A_48 : i32
    %ge3A_50 = arith.constant 133 : i32
    %ge3A_51 = arith.cmpi sge, %arg0, %ge3A_50 : i32
    %convert_element_type3A_52 = arith.extui %ge3A_51 : i1 to i32
    %add3A_53 = arith.addi %add3A_49, %convert_element_type3A_52 : i32
    %ge3A_54 = arith.constant 135 : i32
    %ge3A_55 = arith.cmpi sge, %arg0, %ge3A_54 : i32
    %convert_element_type3A_56 = arith.extui %ge3A_55 : i1 to i32
    %add3A_57 = arith.addi %add3A_53, %convert_element_type3A_56 : i32
    %sub3A = arith.constant 33 : i32
    %sub3A_58 = arith.subi %sub3A, %add3A_57 : i32
    %mul3A = arith.muli %add3A_57, %sub3A_58 : i32
    %jit3A = arith.constant 2 : i32
    %div3A = arith.divsi %mul3A, %jit3A : i32
    %sign3A = arith.constant 0 : i32
    %sign3A_59 = arith.cmpi sgt, %mul3A, %sign3A : i32
    %sign3A_60 = arith.extui %sign3A_59 : i1 to i32
    %sign3A_61 = arith.constant 0 : i32
    %sign3A_62 = arith.cmpi slt, %mul3A, %sign3A_61 : i32
    %sign3A_63 = arith.extui %sign3A_62 : i1 to i32
    %sign3A_64 = arith.subi %sign3A_60, %sign3A_63 : i32
    %sign3A_65 = arith.constant 0 : i32
    %sign3A_66 = arith.cmpi sgt, %jit3A, %sign3A_65 : i32
    %sign3A_67 = arith.extui %sign3A_66 : i1 to i32
    %sign3A_68 = arith.constant 0 : i32
    %sign3A_69 = arith.cmpi slt, %jit3A, %sign3A_68 : i32
    %sign3A_70 = arith.extui %sign3A_69 : i1 to i32
    %sign3A_71 = arith.subi %sign3A_67, %sign3A_70 : i32
    %ne3A = arith.cmpi ne, %sign3A_64, %sign3A_71 : i32
    %rem3A = arith.remsi %mul3A, %jit3A : i32
    %ne3A_72 = arith.constant 0 : i32
    %ne3A_73 = arith.cmpi ne, %rem3A, %ne3A_72 : i32
    %and3A = arith.andi %ne3A, %ne3A_73 : i1
    %sub3A_74 = arith.constant 1 : i32
    %sub3A_75 = arith.subi %div3A, %sub3A_74 : i32
    %select_n3A = arith.select %and3A, %sub3A_75, %div3A : i32
    %sub3A_76 = arith.subi %arg0, %select_n3A : i32
    %add3A_77 = arith.addi %sub3A_76, %add3A_57 : i32
    %c0_i32 = arith.constant 0 : i32
    %c0_i32_78 = arith.constant 0 : i32
    %c0_i32_79 = arith.constant 0 : i32
    return %add3A_57, %c0_i32, %c0_i32_78 : i32, i32, i32
  }
}

module attributes {stable_mosaic.version = 14 : i64} {
  func.func @_e_body(%arg0: i32, %arg1: memref<6x50x512xf32, #tpu.memory_space<vmem>>, %arg2: memref<3x512xf32, #tpu.memory_space<vmem>>, %arg3: memref<3x512xf32, #tpu.memory_space<vmem>>, %arg4: memref<1x512xi32, #tpu.memory_space<vmem>>, %arg5: memref<64x8xf32, #tpu.memory_space<vmem>>, %arg6: memref<64x1xi32, #tpu.memory_space<vmem>>, %arg7: memref<256x8xf32, #tpu.memory_space<smem>>, %arg8: memref<256x512xf32, #tpu.memory_space<vmem>>, %arg9: memref<256x512xf32, #tpu.memory_space<vmem>>) attributes {dimension_semantics = [#tpu.dimension_semantics<arbitrary>], iteration_bounds = array<i64: 4>, scalar_prefetch = 0 : i64, scratch_operands = 0 : i64, tpu.core_type = #tpu.core_type<tc>, window_params = [{transform_indices = @transform_0, window_bounds = array<i64: 6, 50, 512>}, {transform_indices = @transform_1, window_bounds = array<i64: 3, 512>}, {transform_indices = @transform_2, window_bounds = array<i64: 3, 512>}, {transform_indices = @transform_3, window_bounds = array<i64: 1, 512>}, {pipeline_mode = #tpu.pipeline_mode<synchronous>, transform_indices = @transform_4, window_bounds = array<i64: 64, 8>}, {pipeline_mode = #tpu.pipeline_mode<synchronous>, transform_indices = @transform_5, window_bounds = array<i64: 64, 1>}, {transform_indices = @transform_6, window_bounds = array<i64: 256, 8>}, {transform_indices = @transform_7, window_bounds = array<i64: 256, 512>}, {transform_indices = @transform_8, window_bounds = array<i64: 256, 512>}]} {
    %get3A = arith.constant 0 : index
    %get3A_0 = arith.constant 0 : index
    %get3A_1 = vector.load %arg2[%get3A, %get3A_0] : memref<3x512xf32, #tpu.memory_space<vmem>>, vector<1x512xf32>
    %get3A_2 = arith.constant 1 : index
    %get3A_3 = arith.constant 0 : index
    %get3A_4 = vector.load %arg2[%get3A_2, %get3A_3] : memref<3x512xf32, #tpu.memory_space<vmem>>, vector<1x512xf32>
    %get3A_5 = arith.constant 2 : index
    %get3A_6 = arith.constant 0 : index
    %get3A_7 = vector.load %arg2[%get3A_5, %get3A_6] : memref<3x512xf32, #tpu.memory_space<vmem>>, vector<1x512xf32>
    %get3A_8 = arith.constant 0 : index
    %get3A_9 = arith.constant 0 : index
    %get3A_10 = vector.load %arg3[%get3A_8, %get3A_9] : memref<3x512xf32, #tpu.memory_space<vmem>>, vector<1x512xf32>
    %get3A_11 = arith.constant 1 : index
    %get3A_12 = arith.constant 0 : index
    %get3A_13 = vector.load %arg3[%get3A_11, %get3A_12] : memref<3x512xf32, #tpu.memory_space<vmem>>, vector<1x512xf32>
    %get3A_14 = arith.constant 2 : index
    %get3A_15 = arith.constant 0 : index
    %get3A_16 = vector.load %arg3[%get3A_14, %get3A_15] : memref<3x512xf32, #tpu.memory_space<vmem>>, vector<1x512xf32>
    %get3A_17 = arith.constant 0 : index
    %get3A_18 = arith.constant 0 : index
    %get3A_19 = vector.load %arg4[%get3A_17, %get3A_18] : memref<1x512xi32, #tpu.memory_space<vmem>>, vector<1x512xi32>
    %get3A_20 = arith.constant 0 : index
    %get3A_21 = arith.constant 0 : index
    %get3A_22 = arith.constant 0 : index
    %get3A_23 = vector.load %arg1[%get3A_20, %get3A_21, %get3A_22] : memref<6x50x512xf32, #tpu.memory_space<vmem>>, vector<1x50x512xf32>
    %get3A_24 = vector.shape_cast %get3A_23 : vector<1x50x512xf32> to vector<50x512xf32>
    %get3A_25 = arith.constant 1 : index
    %get3A_26 = arith.constant 0 : index
    %get3A_27 = arith.constant 0 : index
    %get3A_28 = vector.load %arg1[%get3A_25, %get3A_26, %get3A_27] : memref<6x50x512xf32, #tpu.memory_space<vmem>>, vector<1x50x512xf32>
    %get3A_29 = vector.shape_cast %get3A_28 : vector<1x50x512xf32> to vector<50x512xf32>
    %get3A_30 = arith.constant 2 : index
    %get3A_31 = arith.constant 0 : index
    %get3A_32 = arith.constant 0 : index
    %get3A_33 = vector.load %arg1[%get3A_30, %get3A_31, %get3A_32] : memref<6x50x512xf32, #tpu.memory_space<vmem>>, vector<1x50x512xf32>
    %get3A_34 = vector.shape_cast %get3A_33 : vector<1x50x512xf32> to vector<50x512xf32>
    %get3A_35 = arith.constant 3 : index
    %get3A_36 = arith.constant 0 : index
    %get3A_37 = arith.constant 0 : index
    %get3A_38 = vector.load %arg1[%get3A_35, %get3A_36, %get3A_37] : memref<6x50x512xf32, #tpu.memory_space<vmem>>, vector<1x50x512xf32>
    %get3A_39 = vector.shape_cast %get3A_38 : vector<1x50x512xf32> to vector<50x512xf32>
    %get3A_40 = arith.constant 4 : index
    %get3A_41 = arith.constant 0 : index
    %get3A_42 = arith.constant 0 : index
    %get3A_43 = vector.load %arg1[%get3A_40, %get3A_41, %get3A_42] : memref<6x50x512xf32, #tpu.memory_space<vmem>>, vector<1x50x512xf32>
    %get3A_44 = vector.shape_cast %get3A_43 : vector<1x50x512xf32> to vector<50x512xf32>
    %get3A_45 = arith.constant 5 : index
    %get3A_46 = arith.constant 0 : index
    %get3A_47 = arith.constant 0 : index
    %get3A_48 = vector.load %arg1[%get3A_45, %get3A_46, %get3A_47] : memref<6x50x512xf32, #tpu.memory_space<vmem>>, vector<1x50x512xf32>
    %get3A_49 = vector.shape_cast %get3A_48 : vector<1x50x512xf32> to vector<50x512xf32>
    %sub3A = vector.broadcast %get3A_1 : vector<1x512xf32> to vector<50x512xf32>
    %sub3A_50 = arith.subf %get3A_24, %sub3A : vector<50x512xf32>
    %sub3A_51 = vector.broadcast %get3A_4 : vector<1x512xf32> to vector<50x512xf32>
    %sub3A_52 = arith.subf %get3A_29, %sub3A_51 : vector<50x512xf32>
    %sub3A_53 = vector.broadcast %get3A_7 : vector<1x512xf32> to vector<50x512xf32>
    %sub3A_54 = arith.subf %get3A_34, %sub3A_53 : vector<50x512xf32>
    %mul3A = arith.mulf %sub3A_50, %sub3A_50 : vector<50x512xf32>
    %mul3A_55 = arith.mulf %sub3A_52, %sub3A_52 : vector<50x512xf32>
    %add3A = arith.addf %mul3A, %mul3A_55 : vector<50x512xf32>
    %mul3A_56 = arith.mulf %sub3A_54, %sub3A_54 : vector<50x512xf32>
    %add3A_57 = arith.addf %add3A, %mul3A_56 : vector<50x512xf32>
    %sqrt3A = math.sqrt %add3A_57 : vector<50x512xf32>
    %mul3A_58 = arith.constant 1.000000e+00 : f32
    %mul3A_59 = vector.broadcast %mul3A_58 : f32 to vector<50x512xf32>
    %mul3A_60 = arith.mulf %sqrt3A, %mul3A_59 : vector<50x512xf32>
    %mul3A_61 = vector.broadcast %get3A_16 : vector<1x512xf32> to vector<50x512xf32>
    %mul3A_62 = arith.mulf %sub3A_52, %mul3A_61 : vector<50x512xf32>
    %mul3A_63 = vector.broadcast %get3A_13 : vector<1x512xf32> to vector<50x512xf32>
    %mul3A_64 = arith.mulf %sub3A_54, %mul3A_63 : vector<50x512xf32>
    %sub3A_65 = arith.subf %mul3A_62, %mul3A_64 : vector<50x512xf32>
    %mul3A_66 = vector.broadcast %get3A_10 : vector<1x512xf32> to vector<50x512xf32>
    %mul3A_67 = arith.mulf %sub3A_54, %mul3A_66 : vector<50x512xf32>
    %mul3A_68 = vector.broadcast %get3A_16 : vector<1x512xf32> to vector<50x512xf32>
    %mul3A_69 = arith.mulf %sub3A_50, %mul3A_68 : vector<50x512xf32>
    %sub3A_70 = arith.subf %mul3A_67, %mul3A_69 : vector<50x512xf32>
    %mul3A_71 = vector.broadcast %get3A_13 : vector<1x512xf32> to vector<50x512xf32>
    %mul3A_72 = arith.mulf %sub3A_50, %mul3A_71 : vector<50x512xf32>
    %mul3A_73 = vector.broadcast %get3A_10 : vector<1x512xf32> to vector<50x512xf32>
    %mul3A_74 = arith.mulf %sub3A_52, %mul3A_73 : vector<50x512xf32>
    %sub3A_75 = arith.subf %mul3A_72, %mul3A_74 : vector<50x512xf32>
    %mul3A_76 = arith.mulf %sub3A_65, %sub3A_65 : vector<50x512xf32>
    %mul3A_77 = arith.mulf %sub3A_70, %sub3A_70 : vector<50x512xf32>
    %add3A_78 = arith.addf %mul3A_76, %mul3A_77 : vector<50x512xf32>
    %mul3A_79 = arith.mulf %sub3A_75, %sub3A_75 : vector<50x512xf32>
    %add3A_80 = arith.addf %add3A_78, %mul3A_79 : vector<50x512xf32>
    %sqrt3A_81 = math.sqrt %add3A_80 : vector<50x512xf32>
    %mul3A_82 = vector.broadcast %get3A_10 : vector<1x512xf32> to vector<50x512xf32>
    %mul3A_83 = arith.mulf %sub3A_50, %mul3A_82 : vector<50x512xf32>
    %mul3A_84 = vector.broadcast %get3A_13 : vector<1x512xf32> to vector<50x512xf32>
    %mul3A_85 = arith.mulf %sub3A_52, %mul3A_84 : vector<50x512xf32>
    %add3A_86 = arith.addf %mul3A_83, %mul3A_85 : vector<50x512xf32>
    %mul3A_87 = vector.broadcast %get3A_16 : vector<1x512xf32> to vector<50x512xf32>
    %mul3A_88 = arith.mulf %sub3A_54, %mul3A_87 : vector<50x512xf32>
    %add3A_89 = arith.addf %add3A_86, %mul3A_88 : vector<50x512xf32>
    %atan23A = math.atan2 %sqrt3A_81, %add3A_89 : vector<50x512xf32>
    %lt3A = arith.constant 0.000000e+00 : f32
    %lt3A_90 = vector.broadcast %lt3A : f32 to vector<50x512xf32>
    %lt3A_91 = arith.cmpf olt, %add3A_89, %lt3A_90 : vector<50x512xf32>
    %neg3A = arith.constant 0.000000e+00 : f32
    %neg3A_92 = vector.broadcast %neg3A : f32 to vector<50x512xf32>
    %neg3A_93 = arith.subf %neg3A_92, %atan23A : vector<50x512xf32>
    %select_n3A = arith.select %lt3A_91, %neg3A_93, %atan23A : vector<50x512xi1>, vector<50x512xf32>
    %neg3A_94 = arith.constant 0.000000e+00 : f32
    %neg3A_95 = vector.broadcast %neg3A_94 : f32 to vector<50x512xf32>
    %neg3A_96 = arith.subf %neg3A_95, %sub3A_50 : vector<50x512xf32>
    %neg3A_97 = arith.constant 0.000000e+00 : f32
    %neg3A_98 = vector.broadcast %neg3A_97 : f32 to vector<50x512xf32>
    %neg3A_99 = arith.subf %neg3A_98, %sub3A_52 : vector<50x512xf32>
    %neg3A_100 = arith.constant 0.000000e+00 : f32
    %neg3A_101 = vector.broadcast %neg3A_100 : f32 to vector<50x512xf32>
    %neg3A_102 = arith.subf %neg3A_101, %sub3A_54 : vector<50x512xf32>
    %mul3A_103 = arith.mulf %neg3A_99, %get3A_49 : vector<50x512xf32>
    %mul3A_104 = arith.mulf %neg3A_102, %get3A_44 : vector<50x512xf32>
    %sub3A_105 = arith.subf %mul3A_103, %mul3A_104 : vector<50x512xf32>
    %mul3A_106 = arith.mulf %neg3A_102, %get3A_39 : vector<50x512xf32>
    %mul3A_107 = arith.mulf %neg3A_96, %get3A_49 : vector<50x512xf32>
    %sub3A_108 = arith.subf %mul3A_106, %mul3A_107 : vector<50x512xf32>
    %mul3A_109 = arith.mulf %neg3A_96, %get3A_44 : vector<50x512xf32>
    %mul3A_110 = arith.mulf %neg3A_99, %get3A_39 : vector<50x512xf32>
    %sub3A_111 = arith.subf %mul3A_109, %mul3A_110 : vector<50x512xf32>
    %mul3A_112 = arith.mulf %sub3A_105, %sub3A_105 : vector<50x512xf32>
    %mul3A_113 = arith.mulf %sub3A_108, %sub3A_108 : vector<50x512xf32>
    %add3A_114 = arith.addf %mul3A_112, %mul3A_113 : vector<50x512xf32>
    %mul3A_115 = arith.mulf %sub3A_111, %sub3A_111 : vector<50x512xf32>
    %add3A_116 = arith.addf %add3A_114, %mul3A_115 : vector<50x512xf32>
    %sqrt3A_117 = math.sqrt %add3A_116 : vector<50x512xf32>
    %mul3A_118 = arith.mulf %neg3A_96, %get3A_39 : vector<50x512xf32>
    %mul3A_119 = arith.mulf %neg3A_99, %get3A_44 : vector<50x512xf32>
    %add3A_120 = arith.addf %mul3A_118, %mul3A_119 : vector<50x512xf32>
    %mul3A_121 = arith.mulf %neg3A_102, %get3A_49 : vector<50x512xf32>
    %add3A_122 = arith.addf %add3A_120, %mul3A_121 : vector<50x512xf32>
    %atan23A_123 = math.atan2 %sqrt3A_117, %add3A_122 : vector<50x512xf32>
    %lt3A_124 = arith.constant 0.000000e+00 : f32
    %lt3A_125 = vector.broadcast %lt3A_124 : f32 to vector<50x512xf32>
    %lt3A_126 = arith.cmpf olt, %add3A_122, %lt3A_125 : vector<50x512xf32>
    %neg3A_127 = arith.constant 0.000000e+00 : f32
    %neg3A_128 = vector.broadcast %neg3A_127 : f32 to vector<50x512xf32>
    %neg3A_129 = arith.subf %neg3A_128, %atan23A_123 : vector<50x512xf32>
    %select_n3A_130 = arith.select %lt3A_126, %neg3A_129, %atan23A_123 : vector<50x512xi1>, vector<50x512xf32>
    %mul3A_131 = arith.constant 0.000000e+00 : f32
    %mul3A_132 = vector.broadcast %mul3A_131 : f32 to vector<50x512xf32>
    %mul3A_133 = arith.mulf %mul3A_132, %get3A_24 : vector<50x512xf32>
    %add3A_134 = vector.broadcast %get3A_10 : vector<1x512xf32> to vector<50x512xf32>
    %add3A_135 = arith.addf %add3A_134, %mul3A_133 : vector<50x512xf32>
    %mul3A_136 = arith.constant 0.000000e+00 : f32
    %mul3A_137 = vector.broadcast %mul3A_136 : f32 to vector<50x512xf32>
    %mul3A_138 = arith.mulf %mul3A_137, %get3A_24 : vector<50x512xf32>
    %add3A_139 = vector.broadcast %get3A_13 : vector<1x512xf32> to vector<50x512xf32>
    %add3A_140 = arith.addf %add3A_139, %mul3A_138 : vector<50x512xf32>
    %mul3A_141 = arith.constant 0.000000e+00 : f32
    %mul3A_142 = vector.broadcast %mul3A_141 : f32 to vector<50x512xf32>
    %mul3A_143 = arith.mulf %mul3A_142, %get3A_24 : vector<50x512xf32>
    %add3A_144 = vector.broadcast %get3A_16 : vector<1x512xf32> to vector<50x512xf32>
    %add3A_145 = arith.addf %add3A_144, %mul3A_143 : vector<50x512xf32>
    %mul3A_146 = arith.mulf %add3A_140, %get3A_49 : vector<50x512xf32>
    %mul3A_147 = arith.mulf %add3A_145, %get3A_44 : vector<50x512xf32>
    %sub3A_148 = arith.subf %mul3A_146, %mul3A_147 : vector<50x512xf32>
    %mul3A_149 = arith.mulf %add3A_145, %get3A_39 : vector<50x512xf32>
    %mul3A_150 = arith.mulf %add3A_135, %get3A_49 : vector<50x512xf32>
    %sub3A_151 = arith.subf %mul3A_149, %mul3A_150 : vector<50x512xf32>
    %mul3A_152 = arith.mulf %add3A_135, %get3A_44 : vector<50x512xf32>
    %mul3A_153 = arith.mulf %add3A_140, %get3A_39 : vector<50x512xf32>
    %sub3A_154 = arith.subf %mul3A_152, %mul3A_153 : vector<50x512xf32>
    %mul3A_155 = arith.mulf %sub3A_148, %sub3A_148 : vector<50x512xf32>
    %mul3A_156 = arith.mulf %sub3A_151, %sub3A_151 : vector<50x512xf32>
    %add3A_157 = arith.addf %mul3A_155, %mul3A_156 : vector<50x512xf32>
    %mul3A_158 = arith.mulf %sub3A_154, %sub3A_154 : vector<50x512xf32>
    %add3A_159 = arith.addf %add3A_157, %mul3A_158 : vector<50x512xf32>
    %sqrt3A_160 = math.sqrt %add3A_159 : vector<50x512xf32>
    %mul3A_161 = arith.mulf %add3A_135, %get3A_39 : vector<50x512xf32>
    %mul3A_162 = arith.mulf %add3A_140, %get3A_44 : vector<50x512xf32>
    %add3A_163 = arith.addf %mul3A_161, %mul3A_162 : vector<50x512xf32>
    %mul3A_164 = arith.mulf %add3A_145, %get3A_49 : vector<50x512xf32>
    %add3A_165 = arith.addf %add3A_163, %mul3A_164 : vector<50x512xf32>
    %atan23A_166 = math.atan2 %sqrt3A_160, %add3A_165 : vector<50x512xf32>
    %lt3A_167 = arith.constant 0.000000e+00 : f32
    %lt3A_168 = vector.broadcast %lt3A_167 : f32 to vector<50x512xf32>
    %lt3A_169 = arith.cmpf olt, %add3A_165, %lt3A_168 : vector<50x512xf32>
    %neg3A_170 = arith.constant 0.000000e+00 : f32
    %neg3A_171 = vector.broadcast %neg3A_170 : f32 to vector<50x512xf32>
    %neg3A_172 = arith.subf %neg3A_171, %atan23A_166 : vector<50x512xf32>
    %select_n3A_173 = arith.select %lt3A_169, %neg3A_172, %atan23A_166 : vector<50x512xi1>, vector<50x512xf32>
    %iota3A = tpu.iota {dimensions = array<i32: 0>} : vector<50x512xi32>
    %lt3A_174 = vector.broadcast %get3A_19 : vector<1x512xi32> to vector<50x512xi32>
    %lt3A_175 = arith.cmpi slt, %iota3A, %lt3A_174 : vector<50x512xi32>
    %get3A_176 = arith.constant 0 : index
    %get3A_177 = arith.constant 0 : index
    %get3A_178 = vector.load %arg5[%get3A_176, %get3A_177] : memref<64x8xf32, #tpu.memory_space<vmem>>, vector<64x1xf32>
    %get3A_179 = arith.constant 0 : index
    %get3A_180 = arith.constant 1 : index
    %get3A_181 = vector.load %arg5[%get3A_179, %get3A_180] : memref<64x8xf32, #tpu.memory_space<vmem>>, vector<64x1xf32>
    %get3A_182 = arith.constant 0 : index
    %get3A_183 = arith.constant 2 : index
    %get3A_184 = vector.load %arg5[%get3A_182, %get3A_183] : memref<64x8xf32, #tpu.memory_space<vmem>>, vector<64x1xf32>
    %get3A_185 = arith.constant 0 : index
    %get3A_186 = arith.constant 3 : index
    %get3A_187 = vector.load %arg5[%get3A_185, %get3A_186] : memref<64x8xf32, #tpu.memory_space<vmem>>, vector<64x1xf32>
    %get3A_188 = arith.constant 0 : index
    %get3A_189 = arith.constant 4 : index
    %get3A_190 = vector.load %arg5[%get3A_188, %get3A_189] : memref<64x8xf32, #tpu.memory_space<vmem>>, vector<64x1xf32>
    %get3A_191 = arith.constant 0 : index
    %get3A_192 = arith.constant 5 : index
    %get3A_193 = vector.load %arg5[%get3A_191, %get3A_192] : memref<64x8xf32, #tpu.memory_space<vmem>>, vector<64x1xf32>
    %get3A_194 = arith.constant 0 : index
    %get3A_195 = arith.constant 0 : index
    %get3A_196 = vector.load %arg6[%get3A_194, %get3A_195] : memref<64x1xi32, #tpu.memory_space<vmem>>, vector<64x1xi32>
    %mul3A_197 = arith.constant 512 : i32
    %mul3A_198 = arith.muli %arg0, %mul3A_197 : i32
    %iota3A_199 = tpu.iota {dimensions = array<i32: 1>} : vector<1x512xi32>
    %add3A_200 = vector.broadcast %mul3A_198 : i32 to vector<1x512xi32>
    %add3A_201 = arith.addi %add3A_200, %iota3A_199 : vector<1x512xi32>
    %ne3A = vector.broadcast %get3A_196 : vector<64x1xi32> to vector<64x512xi32>
    %ne3A_202 = vector.broadcast %add3A_201 : vector<1x512xi32> to vector<64x512xi32>
    %ne3A_203 = arith.cmpi ne, %ne3A, %ne3A_202 : vector<64x512xi32>
    %iota3A_204 = tpu.iota {dimensions = array<i32: 0>} : vector<64x64xi32>
    %iota3A_205 = tpu.iota {dimensions = array<i32: 1>} : vector<64x64xi32>
    %lt3A_206 = arith.cmpi slt, %iota3A_205, %iota3A_204 : vector<64x64xi32>
    %convert_element_type3A = arith.extui %lt3A_206 : vector<64x64xi1> to vector<64x64xi32>
    %convert_element_type3A_207 = arith.sitofp %convert_element_type3A : vector<64x64xi32> to vector<64x64xf32>
    %convert_element_type3A_208 = arith.extui %ne3A_203 : vector<64x512xi1> to vector<64x512xi32>
    %convert_element_type3A_209 = arith.sitofp %convert_element_type3A_208 : vector<64x512xi32> to vector<64x512xf32>
    %dot_general3A = arith.constant dense<0.000000e+00> : vector<64x512xf32>
    %dot_general3A_210 = tpu.matmul %convert_element_type3A_207, %convert_element_type3A_209, %dot_general3A {dimension_numbers = #tpu.dot_dimension_numbers<[1], [0], [0], [1], [0, 0, 1, 1], [], []>, transpose_lhs_hint = false} : vector<64x64xf32>, vector<64x512xf32>, vector<64x512xf32> -> vector<64x512xf32>
    %sub3A_211 = arith.constant 50 : i32
    %sub3A_212 = vector.broadcast %sub3A_211 : i32 to vector<1x512xi32>
    %sub3A_213 = arith.subi %sub3A_212, %get3A_19 : vector<1x512xi32>
    %convert_element_type3A_214 = arith.sitofp %sub3A_213 : vector<1x512xi32> to vector<1x512xf32>
    %lt3A_215 = vector.broadcast %convert_element_type3A_214 : vector<1x512xf32> to vector<64x512xf32>
    %lt3A_216 = arith.cmpf olt, %dot_general3A_210, %lt3A_215 : vector<64x512xf32>
    %and3A = arith.andi %ne3A_203, %lt3A_216 : vector<64x512xi1>
    %sub3A_217 = vector.broadcast %get3A_178 : vector<64x1xf32> to vector<64x512xf32>
    %sub3A_218 = vector.broadcast %get3A_1 : vector<1x512xf32> to vector<64x512xf32>
    %sub3A_219 = arith.subf %sub3A_217, %sub3A_218 : vector<64x512xf32>
    %sub3A_220 = vector.broadcast %get3A_181 : vector<64x1xf32> to vector<64x512xf32>
    %sub3A_221 = vector.broadcast %get3A_4 : vector<1x512xf32> to vector<64x512xf32>
    %sub3A_222 = arith.subf %sub3A_220, %sub3A_221 : vector<64x512xf32>
    %sub3A_223 = vector.broadcast %get3A_184 : vector<64x1xf32> to vector<64x512xf32>
    %sub3A_224 = vector.broadcast %get3A_7 : vector<1x512xf32> to vector<64x512xf32>
    %sub3A_225 = arith.subf %sub3A_223, %sub3A_224 : vector<64x512xf32>
    %mul3A_226 = arith.mulf %sub3A_219, %sub3A_219 : vector<64x512xf32>
    %mul3A_227 = arith.mulf %sub3A_222, %sub3A_222 : vector<64x512xf32>
    %add3A_228 = arith.addf %mul3A_226, %mul3A_227 : vector<64x512xf32>
    %mul3A_229 = arith.mulf %sub3A_225, %sub3A_225 : vector<64x512xf32>
    %add3A_230 = arith.addf %add3A_228, %mul3A_229 : vector<64x512xf32>
    %sqrt3A_231 = math.sqrt %add3A_230 : vector<64x512xf32>
    %mul3A_232 = arith.constant 1.000000e+00 : f32
    %mul3A_233 = vector.broadcast %mul3A_232 : f32 to vector<64x512xf32>
    %mul3A_234 = arith.mulf %sqrt3A_231, %mul3A_233 : vector<64x512xf32>
    %mul3A_235 = vector.broadcast %get3A_16 : vector<1x512xf32> to vector<64x512xf32>
    %mul3A_236 = arith.mulf %sub3A_222, %mul3A_235 : vector<64x512xf32>
    %mul3A_237 = vector.broadcast %get3A_13 : vector<1x512xf32> to vector<64x512xf32>
    %mul3A_238 = arith.mulf %sub3A_225, %mul3A_237 : vector<64x512xf32>
    %sub3A_239 = arith.subf %mul3A_236, %mul3A_238 : vector<64x512xf32>
    %mul3A_240 = vector.broadcast %get3A_10 : vector<1x512xf32> to vector<64x512xf32>
    %mul3A_241 = arith.mulf %sub3A_225, %mul3A_240 : vector<64x512xf32>
    %mul3A_242 = vector.broadcast %get3A_16 : vector<1x512xf32> to vector<64x512xf32>
    %mul3A_243 = arith.mulf %sub3A_219, %mul3A_242 : vector<64x512xf32>
    %sub3A_244 = arith.subf %mul3A_241, %mul3A_243 : vector<64x512xf32>
    %mul3A_245 = vector.broadcast %get3A_13 : vector<1x512xf32> to vector<64x512xf32>
    %mul3A_246 = arith.mulf %sub3A_219, %mul3A_245 : vector<64x512xf32>
    %mul3A_247 = vector.broadcast %get3A_10 : vector<1x512xf32> to vector<64x512xf32>
    %mul3A_248 = arith.mulf %sub3A_222, %mul3A_247 : vector<64x512xf32>
    %sub3A_249 = arith.subf %mul3A_246, %mul3A_248 : vector<64x512xf32>
    %mul3A_250 = arith.mulf %sub3A_239, %sub3A_239 : vector<64x512xf32>
    %mul3A_251 = arith.mulf %sub3A_244, %sub3A_244 : vector<64x512xf32>
    %add3A_252 = arith.addf %mul3A_250, %mul3A_251 : vector<64x512xf32>
    %mul3A_253 = arith.mulf %sub3A_249, %sub3A_249 : vector<64x512xf32>
    %add3A_254 = arith.addf %add3A_252, %mul3A_253 : vector<64x512xf32>
    %sqrt3A_255 = math.sqrt %add3A_254 : vector<64x512xf32>
    %mul3A_256 = vector.broadcast %get3A_10 : vector<1x512xf32> to vector<64x512xf32>
    %mul3A_257 = arith.mulf %sub3A_219, %mul3A_256 : vector<64x512xf32>
    %mul3A_258 = vector.broadcast %get3A_13 : vector<1x512xf32> to vector<64x512xf32>
    %mul3A_259 = arith.mulf %sub3A_222, %mul3A_258 : vector<64x512xf32>
    %add3A_260 = arith.addf %mul3A_257, %mul3A_259 : vector<64x512xf32>
    %mul3A_261 = vector.broadcast %get3A_16 : vector<1x512xf32> to vector<64x512xf32>
    %mul3A_262 = arith.mulf %sub3A_225, %mul3A_261 : vector<64x512xf32>
    %add3A_263 = arith.addf %add3A_260, %mul3A_262 : vector<64x512xf32>
    %atan23A_264 = math.atan2 %sqrt3A_255, %add3A_263 : vector<64x512xf32>
    %lt3A_265 = arith.constant 0.000000e+00 : f32
    %lt3A_266 = vector.broadcast %lt3A_265 : f32 to vector<64x512xf32>
    %lt3A_267 = arith.cmpf olt, %add3A_263, %lt3A_266 : vector<64x512xf32>
    %neg3A_268 = arith.constant 0.000000e+00 : f32
    %neg3A_269 = vector.broadcast %neg3A_268 : f32 to vector<64x512xf32>
    %neg3A_270 = arith.subf %neg3A_269, %atan23A_264 : vector<64x512xf32>
    %select_n3A_271 = arith.select %lt3A_267, %neg3A_270, %atan23A_264 : vector<64x512xi1>, vector<64x512xf32>
    %neg3A_272 = arith.constant 0.000000e+00 : f32
    %neg3A_273 = vector.broadcast %neg3A_272 : f32 to vector<64x512xf32>
    %neg3A_274 = arith.subf %neg3A_273, %sub3A_219 : vector<64x512xf32>
    %neg3A_275 = arith.constant 0.000000e+00 : f32
    %neg3A_276 = vector.broadcast %neg3A_275 : f32 to vector<64x512xf32>
    %neg3A_277 = arith.subf %neg3A_276, %sub3A_222 : vector<64x512xf32>
    %neg3A_278 = arith.constant 0.000000e+00 : f32
    %neg3A_279 = vector.broadcast %neg3A_278 : f32 to vector<64x512xf32>
    %neg3A_280 = arith.subf %neg3A_279, %sub3A_225 : vector<64x512xf32>
    %mul3A_281 = vector.broadcast %get3A_193 : vector<64x1xf32> to vector<64x512xf32>
    %mul3A_282 = arith.mulf %neg3A_277, %mul3A_281 : vector<64x512xf32>
    %mul3A_283 = vector.broadcast %get3A_190 : vector<64x1xf32> to vector<64x512xf32>
    %mul3A_284 = arith.mulf %neg3A_280, %mul3A_283 : vector<64x512xf32>
    %sub3A_285 = arith.subf %mul3A_282, %mul3A_284 : vector<64x512xf32>
    %mul3A_286 = vector.broadcast %get3A_187 : vector<64x1xf32> to vector<64x512xf32>
    %mul3A_287 = arith.mulf %neg3A_280, %mul3A_286 : vector<64x512xf32>
    %mul3A_288 = vector.broadcast %get3A_193 : vector<64x1xf32> to vector<64x512xf32>
    %mul3A_289 = arith.mulf %neg3A_274, %mul3A_288 : vector<64x512xf32>
    %sub3A_290 = arith.subf %mul3A_287, %mul3A_289 : vector<64x512xf32>
    %mul3A_291 = vector.broadcast %get3A_190 : vector<64x1xf32> to vector<64x512xf32>
    %mul3A_292 = arith.mulf %neg3A_274, %mul3A_291 : vector<64x512xf32>
    %mul3A_293 = vector.broadcast %get3A_187 : vector<64x1xf32> to vector<64x512xf32>
    %mul3A_294 = arith.mulf %neg3A_277, %mul3A_293 : vector<64x512xf32>
    %sub3A_295 = arith.subf %mul3A_292, %mul3A_294 : vector<64x512xf32>
    %mul3A_296 = arith.mulf %sub3A_285, %sub3A_285 : vector<64x512xf32>
    %mul3A_297 = arith.mulf %sub3A_290, %sub3A_290 : vector<64x512xf32>
    %add3A_298 = arith.addf %mul3A_296, %mul3A_297 : vector<64x512xf32>
    %mul3A_299 = arith.mulf %sub3A_295, %sub3A_295 : vector<64x512xf32>
    %add3A_300 = arith.addf %add3A_298, %mul3A_299 : vector<64x512xf32>
    %sqrt3A_301 = math.sqrt %add3A_300 : vector<64x512xf32>
    %mul3A_302 = vector.broadcast %get3A_187 : vector<64x1xf32> to vector<64x512xf32>
    %mul3A_303 = arith.mulf %neg3A_274, %mul3A_302 : vector<64x512xf32>
    %mul3A_304 = vector.broadcast %get3A_190 : vector<64x1xf32> to vector<64x512xf32>
    %mul3A_305 = arith.mulf %neg3A_277, %mul3A_304 : vector<64x512xf32>
    %add3A_306 = arith.addf %mul3A_303, %mul3A_305 : vector<64x512xf32>
    %mul3A_307 = vector.broadcast %get3A_193 : vector<64x1xf32> to vector<64x512xf32>
    %mul3A_308 = arith.mulf %neg3A_280, %mul3A_307 : vector<64x512xf32>
    %add3A_309 = arith.addf %add3A_306, %mul3A_308 : vector<64x512xf32>
    %atan23A_310 = math.atan2 %sqrt3A_301, %add3A_309 : vector<64x512xf32>
    %lt3A_311 = arith.constant 0.000000e+00 : f32
    %lt3A_312 = vector.broadcast %lt3A_311 : f32 to vector<64x512xf32>
    %lt3A_313 = arith.cmpf olt, %add3A_309, %lt3A_312 : vector<64x512xf32>
    %neg3A_314 = arith.constant 0.000000e+00 : f32
    %neg3A_315 = vector.broadcast %neg3A_314 : f32 to vector<64x512xf32>
    %neg3A_316 = arith.subf %neg3A_315, %atan23A_310 : vector<64x512xf32>
    %select_n3A_317 = arith.select %lt3A_313, %neg3A_316, %atan23A_310 : vector<64x512xi1>, vector<64x512xf32>
    %mul3A_318 = arith.constant 0.000000e+00 : f32
    %mul3A_319 = vector.broadcast %mul3A_318 : f32 to vector<64x1xf32>
    %mul3A_320 = arith.mulf %mul3A_319, %get3A_178 : vector<64x1xf32>
    %add3A_321 = vector.broadcast %get3A_10 : vector<1x512xf32> to vector<64x512xf32>
    %add3A_322 = vector.broadcast %mul3A_320 : vector<64x1xf32> to vector<64x512xf32>
    %add3A_323 = arith.addf %add3A_321, %add3A_322 : vector<64x512xf32>
    %mul3A_324 = arith.constant 0.000000e+00 : f32
    %mul3A_325 = vector.broadcast %mul3A_324 : f32 to vector<64x1xf32>
    %mul3A_326 = arith.mulf %mul3A_325, %get3A_178 : vector<64x1xf32>
    %add3A_327 = vector.broadcast %get3A_13 : vector<1x512xf32> to vector<64x512xf32>
    %add3A_328 = vector.broadcast %mul3A_326 : vector<64x1xf32> to vector<64x512xf32>
    %add3A_329 = arith.addf %add3A_327, %add3A_328 : vector<64x512xf32>
    %mul3A_330 = arith.constant 0.000000e+00 : f32
    %mul3A_331 = vector.broadcast %mul3A_330 : f32 to vector<64x1xf32>
    %mul3A_332 = arith.mulf %mul3A_331, %get3A_178 : vector<64x1xf32>
    %add3A_333 = vector.broadcast %get3A_16 : vector<1x512xf32> to vector<64x512xf32>
    %add3A_334 = vector.broadcast %mul3A_332 : vector<64x1xf32> to vector<64x512xf32>
    %add3A_335 = arith.addf %add3A_333, %add3A_334 : vector<64x512xf32>
    %mul3A_336 = vector.broadcast %get3A_193 : vector<64x1xf32> to vector<64x512xf32>
    %mul3A_337 = arith.mulf %add3A_329, %mul3A_336 : vector<64x512xf32>
    %mul3A_338 = vector.broadcast %get3A_190 : vector<64x1xf32> to vector<64x512xf32>
    %mul3A_339 = arith.mulf %add3A_335, %mul3A_338 : vector<64x512xf32>
    %sub3A_340 = arith.subf %mul3A_337, %mul3A_339 : vector<64x512xf32>
    %mul3A_341 = vector.broadcast %get3A_187 : vector<64x1xf32> to vector<64x512xf32>
    %mul3A_342 = arith.mulf %add3A_335, %mul3A_341 : vector<64x512xf32>
    %mul3A_343 = vector.broadcast %get3A_193 : vector<64x1xf32> to vector<64x512xf32>
    %mul3A_344 = arith.mulf %add3A_323, %mul3A_343 : vector<64x512xf32>
    %sub3A_345 = arith.subf %mul3A_342, %mul3A_344 : vector<64x512xf32>
    %mul3A_346 = vector.broadcast %get3A_190 : vector<64x1xf32> to vector<64x512xf32>
    %mul3A_347 = arith.mulf %add3A_323, %mul3A_346 : vector<64x512xf32>
    %mul3A_348 = vector.broadcast %get3A_187 : vector<64x1xf32> to vector<64x512xf32>
    %mul3A_349 = arith.mulf %add3A_329, %mul3A_348 : vector<64x512xf32>
    %sub3A_350 = arith.subf %mul3A_347, %mul3A_349 : vector<64x512xf32>
    %mul3A_351 = arith.mulf %sub3A_340, %sub3A_340 : vector<64x512xf32>
    %mul3A_352 = arith.mulf %sub3A_345, %sub3A_345 : vector<64x512xf32>
    %add3A_353 = arith.addf %mul3A_351, %mul3A_352 : vector<64x512xf32>
    %mul3A_354 = arith.mulf %sub3A_350, %sub3A_350 : vector<64x512xf32>
    %add3A_355 = arith.addf %add3A_353, %mul3A_354 : vector<64x512xf32>
    %sqrt3A_356 = math.sqrt %add3A_355 : vector<64x512xf32>
    %mul3A_357 = vector.broadcast %get3A_187 : vector<64x1xf32> to vector<64x512xf32>
    %mul3A_358 = arith.mulf %add3A_323, %mul3A_357 : vector<64x512xf32>
    %mul3A_359 = vector.broadcast %get3A_190 : vector<64x1xf32> to vector<64x512xf32>
    %mul3A_360 = arith.mulf %add3A_329, %mul3A_359 : vector<64x512xf32>
    %add3A_361 = arith.addf %mul3A_358, %mul3A_360 : vector<64x512xf32>
    %mul3A_362 = vector.broadcast %get3A_193 : vector<64x1xf32> to vector<64x512xf32>
    %mul3A_363 = arith.mulf %add3A_335, %mul3A_362 : vector<64x512xf32>
    %add3A_364 = arith.addf %add3A_361, %mul3A_363 : vector<64x512xf32>
    %atan23A_365 = math.atan2 %sqrt3A_356, %add3A_364 : vector<64x512xf32>
    %lt3A_366 = arith.constant 0.000000e+00 : f32
    %lt3A_367 = vector.broadcast %lt3A_366 : f32 to vector<64x512xf32>
    %lt3A_368 = arith.cmpf olt, %add3A_364, %lt3A_367 : vector<64x512xf32>
    %neg3A_369 = arith.constant 0.000000e+00 : f32
    %neg3A_370 = vector.broadcast %neg3A_369 : f32 to vector<64x512xf32>
    %neg3A_371 = arith.subf %neg3A_370, %atan23A_365 : vector<64x512xf32>
    %select_n3A_372 = arith.select %lt3A_368, %neg3A_371, %atan23A_365 : vector<64x512xi1>, vector<64x512xf32>
    %scan3A = arith.constant 0 : i32
    %scan3A_373 = arith.constant 128 : i32
    %scan3A_374 = arith.addi %scan3A, %scan3A_373 : i32
    %scan3A_375 = arith.constant 1 : i32
    scf.for %scan3A_480 = %scan3A to %scan3A_374 step %scan3A_375  : i32 {
      %mul3A_481 = arith.constant 2 : i32
      %mul3A_482 = arith.muli %mul3A_481, %scan3A_480 : i32
      %get3A_483 = arith.index_cast %mul3A_482 : i32 to index
      %get3A_484 = arith.constant 0 : index
      %get3A_485 = memref.load %arg7[%get3A_483, %get3A_484] : memref<256x8xf32, #tpu.memory_space<smem>>
      %get3A_486 = arith.index_cast %mul3A_482 : i32 to index
      %get3A_487 = arith.constant 1 : index
      %get3A_488 = memref.load %arg7[%get3A_486, %get3A_487] : memref<256x8xf32, #tpu.memory_space<smem>>
      %get3A_489 = arith.index_cast %mul3A_482 : i32 to index
      %get3A_490 = arith.constant 2 : index
      %get3A_491 = memref.load %arg7[%get3A_489, %get3A_490] : memref<256x8xf32, #tpu.memory_space<smem>>
      %get3A_492 = arith.index_cast %mul3A_482 : i32 to index
      %get3A_493 = arith.constant 3 : index
      %get3A_494 = memref.load %arg7[%get3A_492, %get3A_493] : memref<256x8xf32, #tpu.memory_space<smem>>
      %get3A_495 = arith.index_cast %mul3A_482 : i32 to index
      %get3A_496 = arith.constant 4 : index
      %get3A_497 = memref.load %arg7[%get3A_495, %get3A_496] : memref<256x8xf32, #tpu.memory_space<smem>>
      %mul3A_498 = vector.broadcast %get3A_485 : f32 to vector<50x512xf32>
      %mul3A_499 = arith.mulf %mul3A_60, %mul3A_498 : vector<50x512xf32>
      %mul3A_500 = vector.broadcast %get3A_488 : f32 to vector<50x512xf32>
      %mul3A_501 = arith.mulf %select_n3A, %mul3A_500 : vector<50x512xf32>
      %add3A_502 = arith.addf %mul3A_499, %mul3A_501 : vector<50x512xf32>
      %mul3A_503 = vector.broadcast %get3A_491 : f32 to vector<50x512xf32>
      %mul3A_504 = arith.mulf %select_n3A_130, %mul3A_503 : vector<50x512xf32>
      %add3A_505 = arith.addf %add3A_502, %mul3A_504 : vector<50x512xf32>
      %mul3A_506 = vector.broadcast %get3A_494 : f32 to vector<50x512xf32>
      %mul3A_507 = arith.mulf %select_n3A_173, %mul3A_506 : vector<50x512xf32>
      %add3A_508 = arith.addf %add3A_505, %mul3A_507 : vector<50x512xf32>
      %add3A_509 = vector.broadcast %get3A_497 : f32 to vector<50x512xf32>
      %add3A_510 = arith.addf %add3A_508, %add3A_509 : vector<50x512xf32>
      %mul3A_511 = vector.broadcast %get3A_485 : f32 to vector<64x512xf32>
      %mul3A_512 = arith.mulf %mul3A_234, %mul3A_511 : vector<64x512xf32>
      %mul3A_513 = vector.broadcast %get3A_488 : f32 to vector<64x512xf32>
      %mul3A_514 = arith.mulf %select_n3A_271, %mul3A_513 : vector<64x512xf32>
      %add3A_515 = arith.addf %mul3A_512, %mul3A_514 : vector<64x512xf32>
      %mul3A_516 = vector.broadcast %get3A_491 : f32 to vector<64x512xf32>
      %mul3A_517 = arith.mulf %select_n3A_317, %mul3A_516 : vector<64x512xf32>
      %add3A_518 = arith.addf %add3A_515, %mul3A_517 : vector<64x512xf32>
      %mul3A_519 = vector.broadcast %get3A_494 : f32 to vector<64x512xf32>
      %mul3A_520 = arith.mulf %select_n3A_372, %mul3A_519 : vector<64x512xf32>
      %add3A_521 = arith.addf %add3A_518, %mul3A_520 : vector<64x512xf32>
      %add3A_522 = vector.broadcast %get3A_497 : f32 to vector<64x512xf32>
      %add3A_523 = arith.addf %add3A_521, %add3A_522 : vector<64x512xf32>
      %jit3A_524 = arith.constant -3.000000e+38 : f32
      %broadcast_in_dim3A_525 = vector.broadcast %jit3A_524 : f32 to vector<50x512xf32>
      %select_n3A_526 = arith.select %lt3A_175, %add3A_510, %broadcast_in_dim3A_525 : vector<50x512xi1>, vector<50x512xf32>
      %reduce_max3A = arith.constant dense<0xFF800000> : vector<512xf32>
      %reduce_max3A_527 = vector.multi_reduction <maximumf>, %select_n3A_526, %reduce_max3A [0] : vector<50x512xf32> to vector<512xf32>
      %broadcast_in_dim3A_528 = vector.shape_cast %reduce_max3A_527 : vector<512xf32> to vector<1x512xf32>
      %jit3A_529 = arith.constant -3.000000e+38 : f32
      %broadcast_in_dim3A_530 = vector.broadcast %jit3A_529 : f32 to vector<64x512xf32>
      %select_n3A_531 = arith.select %and3A, %add3A_523, %broadcast_in_dim3A_530 : vector<64x512xi1>, vector<64x512xf32>
      %reduce_max3A_532 = arith.constant dense<0xFF800000> : vector<512xf32>
      %reduce_max3A_533 = vector.multi_reduction <maximumf>, %select_n3A_531, %reduce_max3A_532 [0] : vector<64x512xf32> to vector<512xf32>
      %broadcast_in_dim3A_534 = vector.shape_cast %reduce_max3A_533 : vector<512xf32> to vector<1x512xf32>
      %max3A = arith.maximumf %broadcast_in_dim3A_528, %broadcast_in_dim3A_534 : vector<1x512xf32>
      %swap3A_535 = arith.index_cast %mul3A_482 : i32 to index
      %swap3A_536 = arith.constant 0 : index
      %swap3A_537 = vector.load %arg8[%swap3A_535, %swap3A_536] : memref<256x512xf32, #tpu.memory_space<vmem>>, vector<1x512xf32>
      tpu.vector_store %arg8[%swap3A_535, %swap3A_536], %max3A {strides = array<i32>} : memref<256x512xf32, #tpu.memory_space<vmem>>, vector<1x512xf32>,
      %mul3A_538 = arith.constant 2 : i32
      %mul3A_539 = arith.muli %mul3A_538, %scan3A_480 : i32
      %add3A_540 = arith.constant 1 : i32
      %add3A_541 = arith.addi %mul3A_539, %add3A_540 : i32
      %get3A_542 = arith.index_cast %add3A_541 : i32 to index
      %get3A_543 = arith.constant 0 : index
      %get3A_544 = memref.load %arg7[%get3A_542, %get3A_543] : memref<256x8xf32, #tpu.memory_space<smem>>
      %get3A_545 = arith.index_cast %add3A_541 : i32 to index
      %get3A_546 = arith.constant 1 : index
      %get3A_547 = memref.load %arg7[%get3A_545, %get3A_546] : memref<256x8xf32, #tpu.memory_space<smem>>
      %get3A_548 = arith.index_cast %add3A_541 : i32 to index
      %get3A_549 = arith.constant 2 : index
      %get3A_550 = memref.load %arg7[%get3A_548, %get3A_549] : memref<256x8xf32, #tpu.memory_space<smem>>
      %get3A_551 = arith.index_cast %add3A_541 : i32 to index
      %get3A_552 = arith.constant 3 : index
      %get3A_553 = memref.load %arg7[%get3A_551, %get3A_552] : memref<256x8xf32, #tpu.memory_space<smem>>
      %get3A_554 = arith.index_cast %add3A_541 : i32 to index
      %get3A_555 = arith.constant 4 : index
      %get3A_556 = memref.load %arg7[%get3A_554, %get3A_555] : memref<256x8xf32, #tpu.memory_space<smem>>
      %mul3A_557 = vector.broadcast %get3A_544 : f32 to vector<50x512xf32>
      %mul3A_558 = arith.mulf %mul3A_60, %mul3A_557 : vector<50x512xf32>
      %mul3A_559 = vector.broadcast %get3A_547 : f32 to vector<50x512xf32>
      %mul3A_560 = arith.mulf %select_n3A, %mul3A_559 : vector<50x512xf32>
      %add3A_561 = arith.addf %mul3A_558, %mul3A_560 : vector<50x512xf32>
      %mul3A_562 = vector.broadcast %get3A_550 : f32 to vector<50x512xf32>
      %mul3A_563 = arith.mulf %select_n3A_130, %mul3A_562 : vector<50x512xf32>
      %add3A_564 = arith.addf %add3A_561, %mul3A_563 : vector<50x512xf32>
      %mul3A_565 = vector.broadcast %get3A_553 : f32 to vector<50x512xf32>
      %mul3A_566 = arith.mulf %select_n3A_173, %mul3A_565 : vector<50x512xf32>
      %add3A_567 = arith.addf %add3A_564, %mul3A_566 : vector<50x512xf32>
      %add3A_568 = vector.broadcast %get3A_556 : f32 to vector<50x512xf32>
      %add3A_569 = arith.addf %add3A_567, %add3A_568 : vector<50x512xf32>
      %mul3A_570 = vector.broadcast %get3A_544 : f32 to vector<64x512xf32>
      %mul3A_571 = arith.mulf %mul3A_234, %mul3A_570 : vector<64x512xf32>
      %mul3A_572 = vector.broadcast %get3A_547 : f32 to vector<64x512xf32>
      %mul3A_573 = arith.mulf %select_n3A_271, %mul3A_572 : vector<64x512xf32>
      %add3A_574 = arith.addf %mul3A_571, %mul3A_573 : vector<64x512xf32>
      %mul3A_575 = vector.broadcast %get3A_550 : f32 to vector<64x512xf32>
      %mul3A_576 = arith.mulf %select_n3A_317, %mul3A_575 : vector<64x512xf32>
      %add3A_577 = arith.addf %add3A_574, %mul3A_576 : vector<64x512xf32>
      %mul3A_578 = vector.broadcast %get3A_553 : f32 to vector<64x512xf32>
      %mul3A_579 = arith.mulf %select_n3A_372, %mul3A_578 : vector<64x512xf32>
      %add3A_580 = arith.addf %add3A_577, %mul3A_579 : vector<64x512xf32>
      %add3A_581 = vector.broadcast %get3A_556 : f32 to vector<64x512xf32>
      %add3A_582 = arith.addf %add3A_580, %add3A_581 : vector<64x512xf32>
      %jit3A_583 = arith.constant -3.000000e+38 : f32
      %broadcast_in_dim3A_584 = vector.broadcast %jit3A_583 : f32 to vector<50x512xf32>
      %select_n3A_585 = arith.select %lt3A_175, %add3A_569, %broadcast_in_dim3A_584 : vector<50x512xi1>, vector<50x512xf32>
      %reduce_max3A_586 = arith.constant dense<0xFF800000> : vector<512xf32>
      %reduce_max3A_587 = vector.multi_reduction <maximumf>, %select_n3A_585, %reduce_max3A_586 [0] : vector<50x512xf32> to vector<512xf32>
      %broadcast_in_dim3A_588 = vector.shape_cast %reduce_max3A_587 : vector<512xf32> to vector<1x512xf32>
      %jit3A_589 = arith.constant -3.000000e+38 : f32
      %broadcast_in_dim3A_590 = vector.broadcast %jit3A_589 : f32 to vector<64x512xf32>
      %select_n3A_591 = arith.select %and3A, %add3A_582, %broadcast_in_dim3A_590 : vector<64x512xi1>, vector<64x512xf32>
      %reduce_max3A_592 = arith.constant dense<0xFF800000> : vector<512xf32>
      %reduce_max3A_593 = vector.multi_reduction <maximumf>, %select_n3A_591, %reduce_max3A_592 [0] : vector<64x512xf32> to vector<512xf32>
      %broadcast_in_dim3A_594 = vector.shape_cast %reduce_max3A_593 : vector<512xf32> to vector<1x512xf32>
      %max3A_595 = arith.maximumf %broadcast_in_dim3A_588, %broadcast_in_dim3A_594 : vector<1x512xf32>
      %swap3A_596 = arith.index_cast %add3A_541 : i32 to index
      %swap3A_597 = arith.constant 0 : index
      %swap3A_598 = vector.load %arg8[%swap3A_596, %swap3A_597] : memref<256x512xf32, #tpu.memory_space<vmem>>, vector<1x512xf32>
      tpu.vector_store %arg8[%swap3A_596, %swap3A_597], %max3A_595 {strides = array<i32>} : memref<256x512xf32, #tpu.memory_space<vmem>>, vector<1x512xf32>,
    }
    %scan3A_376 = arith.constant 128 : i32
    %iota3A_377 = tpu.iota {dimensions = array<i32: 0>} : vector<256x1xi32>
    %jit3A = arith.constant 84 : i32
    %div3A = vector.broadcast %jit3A : i32 to vector<256x1xi32>
    %div3A_378 = arith.divsi %iota3A_377, %div3A : vector<256x1xi32>
    %sign3A = arith.constant 0 : i32
    %sign3A_379 = vector.broadcast %sign3A : i32 to vector<256x1xi32>
    %sign3A_380 = arith.cmpi sgt, %iota3A_377, %sign3A_379 : vector<256x1xi32>
    %sign3A_381 = arith.extui %sign3A_380 : vector<256x1xi1> to vector<256x1xi32>
    %sign3A_382 = arith.constant 0 : i32
    %sign3A_383 = vector.broadcast %sign3A_382 : i32 to vector<256x1xi32>
    %sign3A_384 = arith.cmpi slt, %iota3A_377, %sign3A_383 : vector<256x1xi32>
    %sign3A_385 = arith.extui %sign3A_384 : vector<256x1xi1> to vector<256x1xi32>
    %sign3A_386 = arith.subi %sign3A_381, %sign3A_385 : vector<256x1xi32>
    %sign3A_387 = arith.constant 0 : i32
    %sign3A_388 = arith.cmpi sgt, %jit3A, %sign3A_387 : i32
    %sign3A_389 = arith.extui %sign3A_388 : i1 to i32
    %sign3A_390 = arith.constant 0 : i32
    %sign3A_391 = arith.cmpi slt, %jit3A, %sign3A_390 : i32
    %sign3A_392 = arith.extui %sign3A_391 : i1 to i32
    %sign3A_393 = arith.subi %sign3A_389, %sign3A_392 : i32
    %ne3A_394 = vector.broadcast %sign3A_393 : i32 to vector<256x1xi32>
    %ne3A_395 = arith.cmpi ne, %sign3A_386, %ne3A_394 : vector<256x1xi32>
    %rem3A = vector.broadcast %jit3A : i32 to vector<256x1xi32>
    %rem3A_396 = arith.remsi %iota3A_377, %rem3A : vector<256x1xi32>
    %ne3A_397 = arith.constant 0 : i32
    %ne3A_398 = vector.broadcast %ne3A_397 : i32 to vector<256x1xi32>
    %ne3A_399 = arith.cmpi ne, %rem3A_396, %ne3A_398 : vector<256x1xi32>
    %and3A_400 = arith.andi %ne3A_395, %ne3A_399 : vector<256x1xi1>
    %sub3A_401 = arith.constant 1 : i32
    %sub3A_402 = vector.broadcast %sub3A_401 : i32 to vector<256x1xi32>
    %sub3A_403 = arith.subi %div3A_378, %sub3A_402 : vector<256x1xi32>
    %select_n3A_404 = arith.select %and3A_400, %sub3A_403, %div3A_378 : vector<256x1xi1>, vector<256x1xi32>
    %mul3A_405 = arith.constant 84 : i32
    %mul3A_406 = vector.broadcast %mul3A_405 : i32 to vector<256x1xi32>
    %mul3A_407 = arith.muli %select_n3A_404, %mul3A_406 : vector<256x1xi32>
    %sub3A_408 = arith.subi %iota3A_377, %mul3A_407 : vector<256x1xi32>
    %convert_element_type3A_409 = arith.sitofp %sub3A_408 : vector<256x1xi32> to vector<256x1xf32>
    %div3A_410 = arith.constant 2.000000e+00 : f32
    %div3A_411 = vector.broadcast %div3A_410 : f32 to vector<256x1xf32>
    %div3A_412 = arith.divf %convert_element_type3A_409, %div3A_411 : vector<256x1xf32>
    %floor3A = math.floor %div3A_412 : vector<256x1xf32>
    %mul3A_413 = arith.constant 2.000000e+00 : f32
    %mul3A_414 = vector.broadcast %mul3A_413 : f32 to vector<256x1xf32>
    %mul3A_415 = arith.mulf %mul3A_414, %floor3A : vector<256x1xf32>
    %div3A_416 = arith.constant 8.400000e+01 : f32
    %div3A_417 = vector.broadcast %div3A_416 : f32 to vector<256x1xf32>
    %div3A_418 = arith.divf %mul3A_415, %div3A_417 : vector<256x1xf32>
    %pow3A = arith.constant 1.000000e+04 : f32
    %pow3A_419 = vector.broadcast %pow3A : f32 to vector<256x1xf32>
    %pow3A_420 = math.powf %pow3A_419, %div3A_418 : vector<256x1xf32>
    %eq3A = arith.constant 0 : i32
    %eq3A_421 = vector.broadcast %eq3A : i32 to vector<256x1xi32>
    %eq3A_422 = arith.cmpi eq, %select_n3A_404, %eq3A_421 : vector<256x1xi32>
    %eq3A_423 = arith.constant 1 : i32
    %eq3A_424 = vector.broadcast %eq3A_423 : i32 to vector<256x1xi32>
    %eq3A_425 = arith.cmpi eq, %select_n3A_404, %eq3A_424 : vector<256x1xi32>
    %broadcast_in_dim3A = vector.shape_cast %eq3A_425 : vector<256x1xi1> to vector<256x1xi1>
    %broadcast_in_dim3A_426 = vector.broadcast %broadcast_in_dim3A : vector<256x1xi1> to vector<256x512xi1>
    %broadcast_in_dim3A_427 = vector.shape_cast %get3A_4 : vector<1x512xf32> to vector<1x512xf32>
    %broadcast_in_dim3A_428 = vector.broadcast %broadcast_in_dim3A_427 : vector<1x512xf32> to vector<256x512xf32>
    %broadcast_in_dim3A_429 = vector.shape_cast %get3A_7 : vector<1x512xf32> to vector<1x512xf32>
    %broadcast_in_dim3A_430 = vector.broadcast %broadcast_in_dim3A_429 : vector<1x512xf32> to vector<256x512xf32>
    %select_n3A_431 = arith.select %broadcast_in_dim3A_426, %broadcast_in_dim3A_428, %broadcast_in_dim3A_430 : vector<256x512xi1>, vector<256x512xf32>
    %broadcast_in_dim3A_432 = vector.shape_cast %eq3A_422 : vector<256x1xi1> to vector<256x1xi1>
    %broadcast_in_dim3A_433 = vector.broadcast %broadcast_in_dim3A_432 : vector<256x1xi1> to vector<256x512xi1>
    %broadcast_in_dim3A_434 = vector.shape_cast %get3A_1 : vector<1x512xf32> to vector<1x512xf32>
    %broadcast_in_dim3A_435 = vector.broadcast %broadcast_in_dim3A_434 : vector<1x512xf32> to vector<256x512xf32>
    %select_n3A_436 = arith.select %broadcast_in_dim3A_433, %broadcast_in_dim3A_435, %select_n3A_431 : vector<256x512xi1>, vector<256x512xf32>
    %mul3A_437 = arith.constant 1.000000e+00 : f32
    %mul3A_438 = vector.broadcast %mul3A_437 : f32 to vector<256x512xf32>
    %mul3A_439 = arith.mulf %select_n3A_436, %mul3A_438 : vector<256x512xf32>
    %div3A_440 = vector.broadcast %pow3A_420 : vector<256x1xf32> to vector<256x512xf32>
    %div3A_441 = arith.divf %mul3A_439, %div3A_440 : vector<256x512xf32>
    %jit3A_442 = arith.constant 2 : i32
    %eq3A_443 = arith.constant 0 : i32
    %eq3A_444 = arith.cmpi eq, %jit3A_442, %eq3A_443 : i32
    %jit3A_445 = arith.constant 1 : i32
    %select_n3A_446 = arith.select %eq3A_444, %jit3A_445, %jit3A_442 : i32
    %rem3A_447 = vector.broadcast %select_n3A_446 : i32 to vector<256x1xi32>
    %rem3A_448 = arith.remsi %iota3A_377, %rem3A_447 : vector<256x1xi32>
    %ne3A_449 = arith.constant 0 : i32
    %ne3A_450 = vector.broadcast %ne3A_449 : i32 to vector<256x1xi32>
    %ne3A_451 = arith.cmpi ne, %rem3A_448, %ne3A_450 : vector<256x1xi32>
    %lt3A_452 = arith.constant 0 : i32
    %lt3A_453 = vector.broadcast %lt3A_452 : i32 to vector<256x1xi32>
    %lt3A_454 = arith.cmpi slt, %rem3A_448, %lt3A_453 : vector<256x1xi32>
    %lt3A_455 = arith.constant 0 : i32
    %lt3A_456 = arith.cmpi slt, %select_n3A_446, %lt3A_455 : i32
    %ne3A_457 = vector.broadcast %lt3A_456 : i1 to vector<256x1xi1>
    %ne3A_458 = vector.broadcast %ne3A_457 : vector<256x1xi1> to vector<256x1xi1>
    %ne3A_459 = arith.xori %lt3A_454, %ne3A_458 : vector<256x1xi1>
    %and3A_460 = arith.andi %ne3A_459, %ne3A_451 : vector<256x1xi1>
    %add3A_461 = vector.broadcast %select_n3A_446 : i32 to vector<256x1xi32>
    %add3A_462 = arith.addi %rem3A_448, %add3A_461 : vector<256x1xi32>
    %select_n3A_463 = arith.select %and3A_460, %add3A_462, %rem3A_448 : vector<256x1xi1>, vector<256x1xi32>
    %eq3A_464 = arith.constant 0 : i32
    %eq3A_465 = vector.broadcast %eq3A_464 : i32 to vector<256x1xi32>
    %eq3A_466 = arith.cmpi eq, %select_n3A_463, %eq3A_465 : vector<256x1xi32>
    %sin3A = math.sin %div3A_441 : vector<256x512xf32>
    %cos3A = math.cos %div3A_441 : vector<256x512xf32>
    %broadcast_in_dim3A_467 = vector.shape_cast %eq3A_466 : vector<256x1xi1> to vector<256x1xi1>
    %broadcast_in_dim3A_468 = vector.broadcast %broadcast_in_dim3A_467 : vector<256x1xi1> to vector<256x512xi1>
    %select_n3A_469 = arith.select %broadcast_in_dim3A_468, %sin3A, %cos3A : vector<256x512xi1>, vector<256x512xf32>
    %lt3A_470 = arith.constant 252 : i32
    %lt3A_471 = vector.broadcast %lt3A_470 : i32 to vector<256x1xi32>
    %lt3A_472 = arith.cmpi slt, %iota3A_377, %lt3A_471 : vector<256x1xi32>
    %broadcast_in_dim3A_473 = arith.constant 0.000000e+00 : f32
    %broadcast_in_dim3A_474 = vector.broadcast %broadcast_in_dim3A_473 : f32 to vector<256x512xf32>
    %broadcast_in_dim3A_475 = vector.shape_cast %lt3A_472 : vector<256x1xi1> to vector<256x1xi1>
    %broadcast_in_dim3A_476 = vector.broadcast %broadcast_in_dim3A_475 : vector<256x1xi1> to vector<256x512xi1>
    %select_n3A_477 = arith.select %broadcast_in_dim3A_476, %select_n3A_469, %broadcast_in_dim3A_474 : vector<256x512xi1>, vector<256x512xf32>
    %swap3A = arith.constant 0 : index
    %swap3A_478 = arith.constant 0 : index
    %swap3A_479 = vector.load %arg9[%swap3A, %swap3A_478] : memref<256x512xf32, #tpu.memory_space<vmem>>, vector<256x512xf32>
    tpu.vector_store %arg9[%swap3A, %swap3A_478], %select_n3A_477 {strides = array<i32>} : memref<256x512xf32, #tpu.memory_space<vmem>>, vector<256x512xf32>,
    return
  }
  func.func @transform_0(%arg0: i32) -> (i32, i32, i32) {
    %c0_i32 = arith.constant 0 : i32
    %c0_i32_0 = arith.constant 0 : i32
    %c0_i32_1 = arith.constant 0 : i32
    return %c0_i32, %c0_i32_0, %arg0 : i32, i32, i32
  }
  func.func @transform_1(%arg0: i32) -> (i32, i32) {
    %c0_i32 = arith.constant 0 : i32
    %c0_i32_0 = arith.constant 0 : i32
    return %c0_i32, %arg0 : i32, i32
  }
  func.func @transform_2(%arg0: i32) -> (i32, i32) {
    %c0_i32 = arith.constant 0 : i32
    %c0_i32_0 = arith.constant 0 : i32
    return %c0_i32, %arg0 : i32, i32
  }
  func.func @transform_3(%arg0: i32) -> (i32, i32) {
    %c0_i32 = arith.constant 0 : i32
    %c0_i32_0 = arith.constant 0 : i32
    return %c0_i32, %arg0 : i32, i32
  }
  func.func @transform_4(%arg0: i32) -> (i32, i32) {
    %c0_i32 = arith.constant 0 : i32
    %c0_i32_0 = arith.constant 0 : i32
    %c0_i32_1 = arith.constant 0 : i32
    return %c0_i32, %c0_i32_0 : i32, i32
  }
  func.func @transform_5(%arg0: i32) -> (i32, i32) {
    %c0_i32 = arith.constant 0 : i32
    %c0_i32_0 = arith.constant 0 : i32
    %c0_i32_1 = arith.constant 0 : i32
    return %c0_i32, %c0_i32_0 : i32, i32
  }
  func.func @transform_6(%arg0: i32) -> (i32, i32) {
    %c0_i32 = arith.constant 0 : i32
    %c0_i32_0 = arith.constant 0 : i32
    %c0_i32_1 = arith.constant 0 : i32
    return %c0_i32, %c0_i32_0 : i32, i32
  }
  func.func @transform_7(%arg0: i32) -> (i32, i32) {
    %c0_i32 = arith.constant 0 : i32
    %c0_i32_0 = arith.constant 0 : i32
    return %c0_i32, %arg0 : i32, i32
  }
  func.func @transform_8(%arg0: i32) -> (i32, i32) {
    %c0_i32 = arith.constant 0 : i32
    %c0_i32_0 = arith.constant 0 : i32
    return %c0_i32, %arg0 : i32, i32
  }
}

</mosaic_0001>

<sc_bundles>
// kernel: kernel.6.cloned.1.call-start
scs
__scs_entry_jumppad:
0x0: {  	(pc) =	sbr.rel $0x88, $3  }
0x1: {  	(tag) =	ssettag $0x0;
	lr =	simm.s32 $0x1  }
0x2: {  	[smem:$0x3F9B] =	sst lr;
	_ =	strace $0xD0000000  }
0x3: {  	_ = 	snop  }
0x4: {  	_ = 	snop  }
0x5: {  	_ = 	snop  }
0x6: {  	_ = 	snop  }
0x7: {  	_ = 	snop  }
__scs_overlays_trampoline_lowered:
0x8: {  	[smem:$0x3FAA] =	sst s0  }
0x9: {  	[smem:$0x3FAB] =	sst s1  }
0xa: {  	[smem:$0x3FAC] =	sst s2  }
0xb: {  	[smem:$0x3FAD] =	sst s3  }
0xc: {  	[smem:$0x3FAE] =	sst s4  }
0xd: {  	[smem:$0x3FAF] =	sst s5  }
0xe: {  	[smem:$0x3FB0] =	sst s6  }
0xf: {  	[smem:$0x3FB1] =	sst s7  }
0x10: {  	[smem:$0x3FB2] =	sst s8  }
0x11: {  	[smem:$0x3FB3] =	sst s9;
	s0 =	simm.s32 @!p0 $0x0  }
0x12: {  	s1 =	sld [smem:$0x3F99];
	s0 =	simm.s32 @p0 $0x1  }
0x13: {  	[smem:$0x3FB4] =	sst s0;
	s0 =	simm.s32 @!p1 $0x0  }
0x14: {  	s2 =	sld [smem:$0x3F98];
	s0 =	simm.s32 @p1 $0x1  }
0x15: {  	[smem:$0x3FB5] =	sst s0;
	s0 =	simm.s32 @!p2 $0x0  }
0x16: {  	s3 =	sld [smem:$0x3FDB];
	s0 =	simm.s32 @p2 $0x1  }
0x17: {  	s4 =	simm.s32 $0x1BF5;
	[smem:$0x3FB7] =	sst s0  }
0x18: {  	s0 =	sld [smem:$0x3F9A];
	_ =	swait.ge [sflag:s4], $0x0  }
0x19: {  	s7 =	sld [smem:$0x3F9B]  }
0x1a: {  	s8 =	sadd.s32 $0xFFFFE003, lr  }
0x1b: {  	s9 =	sadd.s32 $0xFFFFFEF7, lr;
	s5 =	simm.s32 $0xFFFFFFFF;
	p2 =	slt.u32 s8, $0xFFFFF086  }
0x1c: {  	p1 =	slt.u32 s9, $0xF7A;
	s5 =	simm.s32 @!p2 $0x0  }
0x1d: {  	s5 =	simm.s32 @p1 $0x1;
	p0 =	seq.s32 s7, s2  }
0x1e: {  	s7 =	smul.u32 @!p0 $0xF7A, s2;
	p2 =	seq.s32 @!p0 s5, $0x0  }
0x1f: {  	s9 =	smul.u32 $0xF7A, s1;
	s8 =	simm.s32 @!p0 $0x1BF5;
	p2 =	por !p2, p0  }
0x20: {  	[sflag:s8] =	ssyncset.s32 @!p0 $0xFFFFF086;
	s6 =	sadd.s32 @!p0 s3, s7;
	s7 =	simm.s32 @!p0 $0x108  }
0x21: {  	s3 =	sadd.s32 s3, s9;
	s6 =	sadd.s32 @!p0 $0x88, s6;
	s7 =	simm.s32 @p2 $0x1082  }
0x22: {  	[simem:s7], [sflag:s8] =	dma.local @!p0 [hbm:s6], $0xF7A  }
0x23: {  	s9 =	sor.u32 $0xD0000000, s2;
	s6 =	simm.s32 $0x108;
	_ =	swait.ge @!p0 [sflag:s8], $0x0  }
0x24: {  	s3 =	sadd.s32 $0x88, s3;
	s6 =	simm.s32 @!p1 $0x1082;
	[sflag:s4] =	ssyncset.s32 $0xFFFFF086  }
0x25: {  	[simem:s6], [sflag:s4] =	dma.local [hbm:s3], $0xF7A  }
0x26: {  	[smem:$0x3F9B] =	sst s1;
	(tag) =	ssettag s2;
	_ =	strace s9  }
0x27: {  	s1 =	sld [smem:$0x3FAB]  }
0x28: {  	s2 =	sld [smem:$0x3FAC]  }
0x29: {  	s4 =	sld [smem:$0x3FAE]  }
0x2a: {  	p0 =	seq.s32 s5, $0x0;
	s5 =	sld [smem:$0x3FAF]  }
0x2b: {  	s6 =	sld [smem:$0x3FB0]  }
0x2c: {  	s7 =	sld [smem:$0x3FB1]  }
0x2d: {  	s3 =	simm.s32 $0x108;
	s8 =	sld [smem:$0x3FB2]  }
0x2e: {  	s3 =	simm.s32 @!p0 $0x1082;
	s9 =	sld [smem:$0x3FB3]  }
0x2f: {  	lr =	sadd.s32 s0, s3;
	s0 =	sld [smem:$0x3FAA]  }
0x30: {  	s3 =	sld [smem:$0x3FAD]  }
0x31: {  	[smem:$0x3FB6] =	sst s10  }
0x32: {  	s10 =	sld [smem:$0x3FB4];
	_ =	sdelay $0x3  }
0x33: {  	p0 =	seq.s32 s10, $0x1;
	s10 =	sld [smem:$0x3FB6];
	_ =	sdelay $0x3  }
0x34: {  	[smem:$0x3FB6] =	sst s10  }
0x35: {  	s10 =	sld [smem:$0x3FB5];
	_ =	sdelay $0x3  }
0x36: {  	p1 =	seq.s32 s10, $0x1;
	s10 =	sld [smem:$0x3FB6];
	_ =	sdelay $0x3  }
0x37: {  	[smem:$0x3FB6] =	sst s10  }
0x38: {  	s10 =	sld [smem:$0x3FB7]  }
0x39: {  	_ = 	snop;
	(pc) =	sbr.ind lr, $3  }
0x3a: {  	_ = 	snop  }
0x3b: {  	_ = 	snop  }
0x3c: {  	p2 =	seq.s32 s10, $0x1;
	s10 =	sld [smem:$0x3FB6]  }
0x3d: {  	_ =	shalt  }
0x3e: {  	_ =	shalt  }
0x3f: {  	_ =	shalt  }
0x40: {  	_ =	shalt  }
0x41: {  	_ =	shalt  }
0x42: {  	_ =	shalt  }
0x43: {  	_ =	shalt  }
0x44: {  	_ =	shalt  }
0x45: {  	_ =	shalt  }
0x46: {  	_ =	shalt  }
0x47: {  	_ =	shalt  }
0x48: {  	_ =	shalt  }
0x49: {  	_ =	shalt  }
0x4a: {  	_ =	shalt  }
0x4b: {  	_ =	shalt  }
0x4c: {  	_ =	shalt  }
0x4d: {  	_ =	shalt  }
0x4e: {  	_ =	shalt  }
0x4f: {  	_ =	shalt  }
0x50: {  	_ =	shalt  }
0x51: {  	_ =	shalt  }
0x52: {  	_ =	shalt  }
0x53: {  	_ =	shalt  }
0x54: {  	_ =	shalt  }
0x55: {  	_ =	shalt  }
0x56: {  	_ =	shalt  }
0x57: {  	_ =	shalt  }
0x58: {  	_ =	shalt  }
0x59: {  	_ =	shalt  }
0x5a: {  	_ =	shalt  }
0x5b: {  	_ =	shalt  }
0x5c: {  	_ =	shalt  }
0x5d: {  	_ =	shalt  }
0x5e: {  	_ =	shalt  }
0x5f: {  	_ =	shalt  }
0x60: {  	_ =	shalt  }
0x61: {  	_ =	shalt  }
0x62: {  	_ =	shalt  }
0x63: {  	_ =	shalt  }
0x64: {  	_ =	shalt  }
0x65: {  	_ =	shalt  }
0x66: {  	_ =	shalt  }
0x67: {  	_ =	shalt  }
0x68: {  	_ =	shalt  }
0x69: {  	_ =	shalt  }
0x6a: {  	_ =	shalt  }
0x6b: {  	_ =	shalt  }
0x6c: {  	_ =	shalt  }
0x6d: {  	_ =	shalt  }
0x6e: {  	_ =	shalt  }
0x6f: {  	_ =	shalt  }
0x70: {  	_ =	shalt  }
0x71: {  	_ =	shalt  }
0x72: {  	_ =	shalt  }
0x73: {  	_ =	shalt  }
0x74: {  	_ =	shalt  }
0x75: {  	_ =	shalt  }
0x76: {  	_ =	shalt  }
0x77: {  	_ =	shalt  }
0x78: {  	_ =	shalt  }
0x79: {  	_ =	shalt  }
0x7a: {  	_ =	shalt  }
0x7b: {  	_ =	shalt  }
0x7c: {  	_ =	shalt  }
0x7d: {  	_ =	shalt  }
0x7e: {  	_ =	shalt  }
0x7f: {  	_ =	shalt  }
0x80: {  	_ =	shalt  }
0x81: {  	_ =	shalt  }
0x82: {  	_ =	shalt  }
0x83: {  	_ =	shalt  }
0x84: {  	_ =	shalt  }
0x85: {  	_ =	shalt  }
0x86: {  	_ =	shalt  }
0x87: {  	_ =	shalt  }
.Lfunc_end0:
.L_simem_size_0:
called_computation_lowered:
.L_overlay_start_0:
0x88: {  	s2 =	sld [smem:$0x3FD9]  }
0x89: {  	s3 =	sld [smem:$0x3FFE];
	_ =	sdelay $0x1  }
0x8a: {  	s1 =	srdreg.scid  }
0x8b: {  	s0 =	sand.u32 $0x1, s1  }
0x8c: {  	s14 =	sshll.u32 s0, $0xA;
	s2 =	sadd.s32 s3, s2  }
0x8d: {  	s2 =	sadd.s32 s2, s14  }
0x8e: {  	[smem:$0x3FC2] =	sst s2  }
0x8f: {  	_ = 	snop  }
0x90: {  	s2 =	sld [smem:$0x3FD0];
	_ =	sdelay $0x2  }
0x91: {  	s15 =	simm.s32 $0xA;
	s4 =	simm.s32 $0x10  }
0x92: {  	[smem:s4], [sflag:s15] =	dma.local [hbm:s2], $0x1  }
0x93: {  	_ =	swait.eq [sflag:s15], $0x1  }
0x94: {  	[sflag:s15] =	ssyncset.done $0x0  }
0x95: {  	s16 =	sld [smem:$0x10];
	[sflag:s15] =	ssyncadd.s32 $0xFFFFFFFF  }
0x96: {  	s17 =	sld [smem:$0x11];
	(tm) =	ssettm $0x1  }
0x97: {  	s18 =	sld [smem:$0x3FFB];
	_ =	sdelay $0x3  }
0x98: {  	_ =	strace s18  }
0x99: {  	s4 =	sld [smem:$0x3FFC];
	_ =	sdelay $0x3  }
0x9a: {  	_ =	strace s4  }
0x9b: {  	s4 =	sld [smem:$0x3FFD];
	_ =	sdelay $0x3  }
0x9c: {  	_ =	strace s4  }
0x9d: {  	_ =	strace $0x8FFFFFFF  }
0x9e: {  	s19 =	sld [smem:$0x3FDB];
	_ =	sdelay $0x1  }
0x9f: {  	s5 =	simm.s32 $_scs_section_size  }
0xa0: {  	s6 =	simm.s32 $_size__tile_overlayer_lowered;
	s7 =	simm.s32 $_tile_overlayer_lowered  }
0xa1: {  	s22 =	simm.s32 $0x1BFF;
	s21 =	sshll.u32 s7, $0x1;
	s4 =	sadd.s32 s5, s19  }
0xa2: {  	s8 =	simm.s32 $0x0;
	s20 =	sshll.u32 s6, $0x1;
	s6 =	sadd.s32 s21, s4  }
0xa3: {  	[timem:s8], [sflag:s22] =	dma.local [hbm:s6], s20  }
0xa4: {  	_ =	swait.ge [sflag:s22], s20  }
0xa5: {  	s5 =	ssub.s32 $0x0, s20;
	[sflag:s22] =	ssyncset.done $0x0  }
0xa6: {  	[sflag:s22] =	ssyncadd.s32 s5;
	_ =	sdelay $0x1  }
0xa7: {  	s23 =	simm.s32 $0x1B8B  }
0xa8: {  	_ =	swait.ge [sflag:s23], $0x1  }
0xa9: {  	[sflag:s23] =	ssyncset.done $0x0  }
0xaa: {  	s25 =	simm.s32 $0x1B8E;
	s24 =	sld [smem:$0x3FFE];
	[sflag:s23] =	ssyncadd.s32 $0xFFFFFFFF  }
0xab: {  	s26 =	simm.s32 $execute0_lowered;
	[smem:$0x3FD2] =	sst s25  }
0xac: {  	s6 =	sshll.u32 s26, $0x1;
	_ =	strace $0x80000046;
	[dreg:$0x1] =	wrdreg $0xFFFFFFFF  }
0xad: {  	s28 =	simm.s32 $_size_execute0_lowered;
	s4 =	sadd.s32 s4, s6;
	[dreg:$0x0] =	wrdreg $0x0  }
0xae: {  	s6 =	sshll.u32 s28, $0x1;
	[dreg:$0x2] =	wrdreg s4  }
0xaf: {  	[dreg:$0x3] =	wrdreg s6  }
0xb0: {  	[dreg:$0x4] =	wrdreg $0xC0  }
0xb1: {  	_ =	task [dreg:s8], $0x5FFFF  }
0xb2: {  	[dreg:$0x1] =	wrdreg $0xFFFFFFFF  }
0xb3: {  	[dreg:$0x0] =	wrdreg $0x60  }
0xb4: {  	[dreg:$0x2] =	wrdreg s17  }
0xb5: {  	[dreg:$0x3] =	wrdreg s16  }
0xb6: {  	[dreg:$0x4] =	wrdreg s24  }
0xb7: {  	[dreg:$0x5] =	wrdreg $0x9  }
0xb8: {  	_ =	task.clear_ibuf [dreg:s8], $0x6FFFF;
	_ =	strace $0x90000046  }
0xb9: {  	s29 =	simm.s32 $0x9;
	_ =	strace $0x80000048  }
0xba: {  	_ =	swait.ge [sflag:s29], $0x1  }
0xbb: {  	[sflag:s29] =	ssyncadd.s32 $0xFFFFFFFF  }
0xbc: {  	_ =	strace $0x90000048  }
0xbd: {  	_ =	sfence  }
0xbe: {  	s30 =	sld [smem:$0x0];
	_ =	sdelay $0x2  }
0xbf: {  	s31 =	sshll.u32 s1, $0xD;
	s1 =	sshrl.u32 s1, $0x2  }
0xc0: {  	s3 =	sand.u32 $0x4000, s31;
	s1 =	sadd.s32 s1, s30  }
0xc1: {  	s0 =	sor.u32 s3, s0;
	s1 =	sshll.u32 s1, $0x11  }
0xc2: {  	s0 =	sor.u32 s1, s0  }
0xc3: {  	s0 =	sadd.s32 $0x8F2B, s0  }
0xc4: {  	[sflag:s0] =	ssyncadd.remote.s32 $0x1  }
0xc5: {  	_ =	sfence.sel $0xFFFF  }
0xc6: {  	[dreg:$0x0] =	wrdreg $0xFFFFFFFF;
	(pc) =	sbr.abs _section_cstart, $3  }
0xc7: {  	[dreg:$0x1] =	wrdreg $0xFFFFFFFF  }
0xc8: {  	_ =	task.clear_ibuf [dreg:s8], $0x2FFFF;
	_ =	strace $0x9FFFFFFF  }
0xc9: {  	(tm) =	ssettm $0x7FFFFFFF  }
tec
execute0_lowered:
.L_overlay_start_1:
0x0: {  	(tag) =	ssettag $0x1  }
0x1: {  	s1 =	rddreg [dreg:$0x0]  }
0x2: {  	s3 =	rddreg [dreg:$0x1];
	s2 =	srdreg.scid  }
0x3: {  	s0 =	stileid.u32;
	s6 =	rddreg [dreg:$0x2];
	s11 =	simm.s32 $0x400  }
0x4: {  	s5 =	sand.u32 $0x1, s2;
	s4 =	sshll.u32 s0, $0x1;
	s2 =	rddreg [dreg:$0x3]  }
0x5: {  	s8 =	sshrl.u32 s0, $0x2;
	s7 =	sor.u32 s5, s4;
	s4 =	simm.s32 $0x0  }
0x6: {  	s8 =	smul.u32 $0x25800, s8;
	s29 =	ssub.s32 $0x2, s5;
	s9 =	sshll.u32 s7, $0x7  }
0x7: {  	s5 =	sadd.s32 $0x800, s6;
	[smem:$0x7FF] =	sst s4;
	s9 =	sand.u32 $0x380, s9  }
0x8: {  	s10 =	sshrl.u32 s29, $0x1;
	s31 =	sshll.u32 s7, $0x6;
	s8 =	sor.u32 s8, s9  }
0x9: {  	_ =	strace $0x80000047;
	s30 =	ssub.s32 s29, s10;
	s8 =	sshrl.u32 s8, $0x3  }
0xa: {  	s10 =	simm.s32 $0x80;
	s7 =	smax.u32 s30, $0x1;
	s6 =	sadd.s32 s8, s6  }
0xb: {  	v0 =	vmov s31;
	s9 =	simm.s32 $0x5000;
	s8 =	simm.s32 $0x1;
	s6 =	sadd.s32 $0x1000, s6  }
.LBB2_1:
0xc: {  	s12 =	simm.s32 $0x0  }
.LBB2_2:
0xd: {  	s15 =	sshll.u32 s12, $0x8  }
0xe: {  	s13 =	simm.s32 $0x0;
	s14 =	simm.s32 $0x4000;
	s16 =	sadd.s32 s3, s15  }
0xf: {  	[tilespmem:s14], [sflag:$0x1] =	stream.linear.gather [hbm4b:s16+s13], $0x800, $0x38;
	[tilespmem:$0x9B00] =	vst v63  }
0x10: {  	_ =	swait.ge [sflag:s8], $0x800  }
0x11: {  	[sflag:s8] =	ssyncset.done $0x0  }
0x12: {  	s29 =	sadd.s32 s5, s15;
	s15 =	simm.s32 $0x4800;
	[sflag:s8] =	ssyncadd.s32 $0xFFFFF800  }
0x13: {  	[tilespmem:s15], [sflag:$0x1] =	stream.linear.gather [hbm4b:s29+s13], $0x800, $0x38;
	[tilespmem:$0x9B00] =	vst v63  }
0x14: {  	_ =	swait.ge [sflag:s8], $0x800  }
0x15: {  	s30 =	sshll.u32 s12, $0xB;
	[sflag:s8] =	ssyncset.done $0x0  }
0x16: {  	s16 =	sadd.s32 s1, s30;
	[sflag:s8] =	ssyncadd.s32 $0xFFFFF800  }
0x17: {  	[tilespmem:s13], [sflag:$0x1] =	stream.linear.gather [hbm4b:s16+s13], $0x4000, $0x38;
	[tilespmem:$0x9B00] =	vst v63  }
0x18: {  	_ =	swait.ge [sflag:s8], $0x4000  }
0x19: {  	[sflag:s8] =	ssyncset.done $0x0  }
0x1a: {  	[sflag:s8] =	ssyncadd.s32 $0xFFFFC000  }
0x1b: {  	v1 =	vld [tilespmem:s14+$0x0]  }
0x1c: {  	v2 =	vld [tilespmem:s15+$0x0];
	_ =	sdelay $0x3  }
0x1d: {  	v1 =	vsub.s32 v1, v0  }
0x1e: {  	s31 =	sand.u32 $0x70, s13;
	s17 =	sand.u32 $0x3C00, s13;
	vm1 =	vlt.s32 v2, $0x32;
	vm0 =	vlt.u32 v1, $0x40  }
0x1f: {  	s17 =	sor.u32 s31, s17;
	v2 =	vshll.u32 v2, $0x6;
	vm0 =	vmand vm0, vm1  }
0x20: {  	v2 =	vadd.s32 v1, v2;
	v1 =	vld [tilespmem:s17+$0x0];
	_ =	sdelay $0x4  }
0x21: {  	[tilespmem:v2+s9+$0x0] =	vst.idx.msk vm0, v1  }
0x22: {  	v3 =	vadd.s32 $0xC80, v2;
	v1 =	vld [tilespmem:s17+$0x80];
	_ =	sdelay $0x4  }
0x23: {  	[tilespmem:v3+s9+$0x0] =	vst.idx.msk vm0, v1  }
0x24: {  	v3 =	vadd.s32 $0x1900, v2;
	v1 =	vld [tilespmem:s17+$0x100];
	_ =	sdelay $0x4  }
0x25: {  	[tilespmem:v3+s9+$0x0] =	vst.idx.msk vm0, v1  }
0x26: {  	v3 =	vadd.s32 $0x2580, v2;
	v1 =	vld [tilespmem:s17+$0x180];
	_ =	sdelay $0x4  }
0x27: {  	[tilespmem:v3+s9+$0x0] =	vst.idx.msk vm0, v1  }
0x28: {  	v3 =	vadd.s32 $0x3200, v2;
	v1 =	vld [tilespmem:s17+$0x200];
	_ =	sdelay $0x4  }
0x29: {  	[tilespmem:v3+s9+$0x0] =	vst.idx.msk vm0, v1  }
0x2a: {  	s16 =	simm.s32 $0x10;
	v2 =	vadd.s32 $0x3E80, v2;
	v1 =	vld [tilespmem:s17+$0x280]  }
.LBB2_3:
0x2b: {  	_ =	sdelay $0x3  }
0x2c: {  	s13 =	sadd.s32 $0x80, s13;
	s14 =	sadd.s32 $0x10, s14;
	s15 =	sadd.s32 $0x10, s15;
	[tilespmem:v2+s9+$0x0] =	vst.idx.msk vm0, v1  }
0x2d: {  	p0 =	sne.s32 s16, $0x7F0;
	s17 =	smov.u32 s16;
	s16 =	sadd.s32 $0x10, s16;
	v1 =	vld [tilespmem:s14+$0x0]  }
0x2e: {  	v2 =	vld [tilespmem:s15+$0x0];
	_ =	sdelay $0x3  }
0x2f: {  	v1 =	vsub.s32 v1, v0  }
0x30: {  	s17 =	sand.u32 $0x70, s17;
	s18 =	sand.u32 $0x3C00, s13;
	vm0 =	vlt.u32 v1, $0x40;
	vm1 =	vlt.s32 v2, $0x32;
	v2 =	vshll.u32 v2, $0x6  }
0x31: {  	s17 =	sor.u32 s17, s18;
	vm0 =	vmand vm0, vm1;
	v2 =	vadd.s32 v1, v2  }
0x32: {  	v1 =	vld [tilespmem:s17+$0x0];
	_ =	sdelay $0x4  }
0x33: {  	[tilespmem:v2+s9+$0x0] =	vst.idx.msk vm0, v1  }
0x34: {  	v3 =	vadd.s32 $0xC80, v2;
	v1 =	vld [tilespmem:s17+$0x80];
	_ =	sdelay $0x4  }
0x35: {  	[tilespmem:v3+s9+$0x0] =	vst.idx.msk vm0, v1  }
0x36: {  	v3 =	vadd.s32 $0x1900, v2;
	v1 =	vld [tilespmem:s17+$0x100];
	_ =	sdelay $0x4  }
0x37: {  	[tilespmem:v3+s9+$0x0] =	vst.idx.msk vm0, v1  }
0x38: {  	v3 =	vadd.s32 $0x2580, v2;
	v1 =	vld [tilespmem:s17+$0x180];
	_ =	sdelay $0x4  }
0x39: {  	[tilespmem:v3+s9+$0x0] =	vst.idx.msk vm0, v1  }
0x3a: {  	v3 =	vadd.s32 $0x3200, v2;
	v1 =	vld [tilespmem:s17+$0x200];
	_ =	sdelay $0x1  }
.Ltmp0:
0x3b: {  	(pc) =	sbr.rel @p0 .LBB2_3-.Ltmp0, $3  }
0x3c: {  	_ =	sdelay $0x1  }
0x3d: {  	[tilespmem:v3+s9+$0x0] =	vst.idx.msk vm0, v1  }
0x3e: {  	v2 =	vadd.s32 $0x3E80, v2;
	v1 =	vld [tilespmem:s17+$0x280]  }
0x3f: {  	s12 =	sadd.s32 $0x1, s12  }
0x40: {  	p0 =	sne.s32 s12, $0x8  }
.Ltmp1:
0x41: {  	_ = 	snop;
	(pc) =	sbr.rel @p0 .LBB2_2-.Ltmp1, $2  }
0x42: {  	_ =	sdelay $0x2  }
0x43: {  	[tilespmem:v2+s9+$0x0] =	vst.idx.msk vm0, v1  }
0x44: {  	s4 =	sadd.s32 $0x1, s4  }
0x45: {  	p0 =	sne.s32 s4, s7  }
.Ltmp2:
0x46: {  	_ = 	snop;
	(pc) =	sbr.rel @p0 .LBB2_1-.Ltmp2, $4  }
0x47: {  	[hbm4b:s6+s10] =	stream.strided.scatter [tilespmem:s9], [sflag:$0x1], $0x4B00, s11, s10, $0x38;
	[tilespmem:$0x9B00] =	vst v63  }
0x48: {  	_ =	swait.ge [sflag:s8], $0x4B00  }
0x49: {  	[sflag:s8] =	ssyncset.done $0x0  }
0x4a: {  	[sflag:s8] =	ssyncadd.s32 $0xFFFFB500  }
0x4b: {  	_ =	sfence.sel $0x180000  }
0x4c: {  	[bflag:$0x0] =	sbarrier.arrive $0xFFFF  }
0x4d: {  	p0 =	sne.s32 s0, $0x0;
	_ =	strace $0x90000047  }
0x4e: {  	s0 =	sadd.s32 @!p0 $0x100000, s2;
	[bflag:$0x2] =	sbarrier.arrive $0xFFFF  }
0x4f: {  	[sflag:s0] =	ssyncadd.tile.s32 @!p0 $0x1;
	_ =	shalt  }
.Lfunc_end2:
_tile_overlayer_lowered:
.L_overlay_start_2:
0x50: {  	(tag) =	ssettag $0x2  }
0x51: {  	s0 =	rddreg [dreg:$0x0];
	s2 =	stileid.u32  }
0x52: {  	s1 =	rddreg [dreg:$0x1];
	p0 =	sne.s32 s2, $0x0  }
0x53: {  	s3 =	rddreg [dreg:$0x2];
	[bflag:$0x3] =	sbarrier.arrive $0xFFFF;
	s2 =	simm.s32 @!p0 $0x1C01  }
0x54: {  	[timem:s3], [sflag:s2] =	dma.local @!p0 [hbm:s0], s1  }
0x55: {  	s0 =	simm.s32 @!p0 $0x1  }
0x56: {  	_ =	swait.ge @!p0 [sflag:s0], s1  }
0x57: {  	s1 =	ssub.s32 @!p0 $0x0, s1;
	[sflag:s0] =	ssyncset.done @!p0 $0x0  }
0x58: {  	[sflag:s0] =	ssyncadd.s32 @!p0 s1  }
0x59: {  	[bflag:$0x3] =	sbarrier.arrive $0xFFFF  }
0x5a: {  	_ =	shalt  }

</sc_bundles>
